<compile_context>
chip_gen: v7x
topology: tpu7x:2x2x1
jax: 0.10.2.dev20260603
libtpu: 0.0.44.dev20260713+nightly
codegen_flags: <defaults>
</compile_context>

<pallas_src>
import functools

import jax
import jax.numpy as jnp
from jax import lax
from jax.experimental import pallas as pl
from jax.experimental.pallas import tpu as pltpu, tpu_sc as plsc

B = 256
LATENT = 50
BUF = 500
BUFP = 512
K = 3
NA = 6
NAP = 8
HID = 512
BT = 16
G1 = 21
G1C = 24
G3 = 11
G3C = 16


def _enc_body(xq_ref, w1_ref, w2_ref, w3_ref, b1_ref, b2_ref, b3_ref, o_ref):
    xqm = xq_ref[...].reshape(BT * G1 * G1C, 64)
    d = [[None, None], [None, None]]
    for ia in range(2):
        for ib in range(2):
            d[ia][ib] = jax.lax.dot_general(
                xqm, w1_ref[ia * 2 + ib], (((1,), (0,)), ((), ())),
                preferred_element_type=jnp.float32).reshape(BT, G1, G1C, 128)
    y = d[1][1]
    y = y + jnp.pad(d[0][1][:, :G1 - 1], ((0, 0), (1, 0), (0, 0), (0, 0)))
    y = y + jnp.pad(d[1][0][:, :, :G1C - 1], ((0, 0), (0, 0), (1, 0), (0, 0)))
    y = y + jnp.pad(d[0][0][:, :G1 - 1, :G1C - 1],
                    ((0, 0), (1, 0), (1, 0), (0, 0)))
    y = jnp.maximum(y + b1_ref[...].reshape(1, 1, 1, 128), 0.0)
    ri = jax.lax.broadcasted_iota(jnp.int32, (1, G1, G1C, 128), 1)
    ci = jax.lax.broadcasted_iota(jnp.int32, (1, G1, G1C, 128), 2)
    li = jax.lax.broadcasted_iota(jnp.int32, (1, G1, G1C, 128), 3)
    lp = li // 64
    lq = (li // 32) % 2
    bad = ((lp == 0) & (ri == 0)) | ((lp == 1) & (ri == G1 - 1)) \
        | ((lq == 0) & (ci == 0)) | ((lq == 1) & (ci >= 20))
    xs2 = jnp.where(bad, 0.0, y)

    xs2m = xs2.reshape(BT * G1 * G1C, 128)
    for ia in range(2):
        for ib in range(2):
            d[ia][ib] = jax.lax.dot_general(
                xs2m, w2_ref[ia * 2 + ib], (((1,), (0,)), ((), ())),
                preferred_element_type=jnp.float32).reshape(BT, G1, G1C, 64)
    y2 = (d[0][0][:, :20, :20] + d[0][1][:, :20, 1:21]
          + d[1][0][:, 1:21, :20] + d[1][1][:, 1:21, 1:21])
    y2 = jnp.maximum(y2 + b2_ref[...].reshape(1, 1, 1, 64), 0.0)

    yr = y2.reshape(BT, 10, 2, 20, 64)
    er, orr = yr[:, :, 0], yr[:, :, 1]
    zrow = jnp.zeros((BT, 1, 20, 64), jnp.float32)
    r0 = jnp.concatenate([zrow, orr], axis=1)
    r1 = jnp.concatenate([er, zrow], axis=1)
    xs3p = []
    zc1 = jnp.zeros((BT, G3, 1, 64), jnp.float32)
    zc5 = jnp.zeros((BT, G3, 5, 64), jnp.float32)
    for rsel in (r0, r1):
        rc = rsel.reshape(BT, G3, 10, 2, 64)
        ec, oc = rc[:, :, :, 0], rc[:, :, :, 1]
        xs3p.append(jnp.concatenate([zc1, oc, zc5], axis=2))
        xs3p.append(jnp.concatenate([ec, zc1, zc5], axis=2))
    xs3 = jnp.concatenate(xs3p, axis=-1)

    xs3m = xs3.reshape(BT * G3 * G3C, 256)
    for ia in range(2):
        for ib in range(2):
            d[ia][ib] = jax.lax.dot_general(
                xs3m, w3_ref[ia * 2 + ib], (((1,), (0,)), ((), ())),
                preferred_element_type=jnp.float32).reshape(BT, G3, G3C, 128)
    y3 = (d[0][0][:, :10, :10] + d[0][1][:, :10, 1:11]
          + d[1][0][:, 1:11, :10] + d[1][1][:, 1:11, 1:11])
    y3 = jnp.maximum(y3 + b3_ref[...].reshape(1, 1, 1, 128), 0.0)
    o_ref[...] = y3


def _pack_w1(W1):
    ws = [[jnp.zeros((64, 128), jnp.float32) for _ in range(2)]
          for _ in range(2)]
    for P in range(2):
        for Q in range(2):
            for kh in range(3):
                dr = 2 * P + kh - 2
                ia = 1 if dr >= 0 else 0
                r4 = dr % 4
                for kw in range(3):
                    dc = 2 * Q + kw - 2
                    ib = 1 if dc >= 0 else 0
                    c4 = dc % 4
                    blk = W1[:, :, kh, kw].T
                    row = r4 * 16 + c4 * 4
                    col = (P * 2 + Q) * 32
                    ws[ia][ib] = jax.lax.dynamic_update_slice(
                        ws[ia][ib], blk, (row, col))
    return jnp.stack([ws[0][0], ws[0][1], ws[1][0], ws[1][1]])


def _pack_w23(W, cin, cout):
    ws = [[jnp.zeros((4 * cin, cout), jnp.float32) for _ in range(2)]
          for _ in range(2)]
    for kh in range(3):
        a, p = kh // 2, kh % 2 if kh < 2 else 0
        if kh == 2:
            a, p = 1, 0
        for kw in range(3):
            b, q = (1, 0) if kw == 2 else (0, kw)
            blk = W[:, :, kh, kw].T
            ws[a][b] = jax.lax.dynamic_update_slice(
                ws[a][b], blk, ((p * 2 + q) * cin, 0))
    return jnp.stack([ws[0][0], ws[0][1], ws[1][0], ws[1][1]])


def _tail_body(h3_ref, wfc_ref, bfc_ref, g_ref, be_ref, buf_ref, o_ref):
    h = jax.lax.dot_general(h3_ref[...], wfc_ref[...], (((1,), (0,)), ((), ())),
                            preferred_element_type=jnp.float32) + bfc_ref[...]
    mu = jnp.mean(h, axis=1, keepdims=True)
    var = jnp.mean((h - mu) * (h - mu), axis=1, keepdims=True)
    hn = (h - mu) * jax.lax.rsqrt(var + 1e-5) * g_ref[...] + be_ref[...]
    reps = jnp.tanh(hn)
    bufp = buf_ref[...]
    rsq = reps * reps
    ones_row = jnp.ones((1, LATENT), jnp.float32)
    rrt = jax.lax.dot_general(ones_row, rsq, (((1,), (1,)), ((), ())),
                              preferred_element_type=jnp.float32)
    bb = jnp.sum(bufp * bufp, axis=1, keepdims=True)
    d2t = bb + rrt - 2.0 * jax.lax.dot_general(
        bufp, reps, (((1,), (1,)), ((), ())), preferred_element_type=jnp.float32)
    o_ref[...] = jnp.sqrt(jnp.maximum(d2t, 0.0))


def _topk_sc_body(dt_hbm, out_hbm, col_v, out_v):
    wid = lax.axis_index("s") * 2 + lax.axis_index("c")

    @pl.when(wid < 16)
    def _():
        pltpu.sync_copy(dt_hbm.at[wid], col_v)

        def body(j, carry):
            a, b, c = carry
            v = col_v[pl.ds(j * 16, 16)]
            t = jnp.maximum(a, v)
            a2 = jnp.minimum(a, v)
            t2 = jnp.maximum(b, t)
            b2 = jnp.minimum(b, t)
            c2 = jnp.minimum(c, t2)
            return a2, b2, c2

        big = jnp.full((16,), 1e30, jnp.float32)
        a, b, c = lax.fori_loop(0, BUFP, body, (big, big, big))
        out_v[...] = (a + b + c) * (1.0 / K)
        pltpu.sync_copy(out_v, out_hbm.at[pl.ds(wid * 16, 16)])


def _rew_body(m_ref, o_ref):
    o_ref[...] = -jnp.log(m_ref[...] + 1e-8)


def _ac_body(flat_ref, wh_ref, bh_ref, wa_ref, ba_ref, wv_ref, bv_ref,
             probs_ref, logp_ref, val_ref, acc_ref, *, nk):
    k = pl.program_id(0)

    @pl.when(k == 0)
    def _():
        acc_ref[...] = jnp.zeros_like(acc_ref)

    acc_ref[...] += jax.lax.dot_general(
        flat_ref[...], wh_ref[...], (((1,), (1,)), ((), ())),
        preferred_element_type=jnp.float32)

    @pl.when(k == nk - 1)
    def _():
        hid = jnp.maximum(acc_ref[...] + bh_ref[...], 0.0)
        logits = jax.lax.dot_general(hid, wa_ref[...], (((1,), (0,)), ((), ())),
                                     preferred_element_type=jnp.float32) + ba_ref[...]
        m = jnp.max(logits, axis=1, keepdims=True)
        e = jnp.exp(logits - m)
        s = jnp.sum(e, axis=1, keepdims=True)
        probs_ref[...] = e / s
        logp_ref[...] = logits - m - jnp.log(s)
        val_ref[...] = jax.lax.dot_general(
            hid, wv_ref[...], (((1,), (0,)), ((), ())),
            preferred_element_type=jnp.float32) + bv_ref[...]


def kernel(x, W1, b1, W2, b2, W3, b3, Wfc, bfc, gamma, beta, buffer,
           Wh, bh, Wa, ba, Wv, bv):
    flat = x.reshape(B, -1)
    kdim = flat.shape[1]
    nk = 8
    kc = kdim // nk
    wa_p = jnp.zeros((HID, NAP), jnp.float32).at[:, :NA].set(Wa.T)
    ba_p = jnp.full((1, NAP), -1e30, jnp.float32).at[:, :NA].set(ba)
    probs_p, logp_p, value = pl.pallas_call(
        functools.partial(_ac_body, nk=nk),
        grid=(nk,),
        in_specs=[
            pl.BlockSpec((B, kc), lambda k: (0, k)),
            pl.BlockSpec((HID, kc), lambda k: (0, k)),
            pl.BlockSpec((1, HID), lambda k: (0, 0)),
            pl.BlockSpec((HID, NAP), lambda k: (0, 0)),
            pl.BlockSpec((1, NAP), lambda k: (0, 0)),
            pl.BlockSpec((HID, 1), lambda k: (0, 0)),
            pl.BlockSpec((1, 1), lambda k: (0, 0)),
        ],
        out_specs=[
            pl.BlockSpec((B, NAP), lambda k: (0, 0)),
            pl.BlockSpec((B, NAP), lambda k: (0, 0)),
            pl.BlockSpec((B, 1), lambda k: (0, 0)),
        ],
        out_shape=[
            jax.ShapeDtypeStruct((B, NAP), jnp.float32),
            jax.ShapeDtypeStruct((B, NAP), jnp.float32),
            jax.ShapeDtypeStruct((B, 1), jnp.float32),
        ],
        scratch_shapes=[pltpu.VMEM((B, HID), jnp.float32)],
    )(flat, Wh, bh.reshape(1, HID), wa_p, ba_p, Wv.T, bv.reshape(1, 1))
    probs = probs_p[:, :NA]
    log_probs = logp_p[:, :NA]

    xp = jnp.pad(x, ((0, 0), (0, 0), (1, 3), (1, 15)))
    xq = xp.reshape(B, 4, G1, 4, G1C, 4).transpose(0, 2, 4, 3, 5, 1)
    xqf = xq.reshape(B, G1, G1C, 64)

    w1q = _pack_w1(W1)
    w2q = _pack_w23(W2, 32, 64)
    w3q = _pack_w23(W3, 64, 128)
    b1q = jnp.tile(b1, 4).reshape(1, 128)

    h3 = pl.pallas_call(
        _enc_body,
        grid=(B // BT,),
        in_specs=[
            pl.BlockSpec((BT, G1, G1C, 64), lambda i: (i, 0, 0, 0)),
            pl.BlockSpec((4, 64, 128), lambda i: (0, 0, 0)),
            pl.BlockSpec((4, 128, 64), lambda i: (0, 0, 0)),
            pl.BlockSpec((4, 256, 128), lambda i: (0, 0, 0)),
            pl.BlockSpec((1, 128), lambda i: (0, 0)),
            pl.BlockSpec((1, 64), lambda i: (0, 0)),
            pl.BlockSpec((1, 128), lambda i: (0, 0)),
        ],
        out_specs=pl.BlockSpec((BT, 10, 10, 128), lambda i: (i, 0, 0, 0)),
        out_shape=jax.ShapeDtypeStruct((B, 10, 10, 128), jnp.float32),
    )(xqf, w1q, w2q, w3q, b1q, b2.reshape(1, 64), b3.reshape(1, 128))

    h3f = h3.reshape(B, -1)
    wfc_r = Wfc.reshape(LATENT, 128, 10, 10).transpose(2, 3, 1, 0).reshape(-1, LATENT)
    buf_p = jnp.full((BUFP, LATENT), 1e3, jnp.float32).at[:BUF].set(buffer)

    dt = pl.pallas_call(
        _tail_body,
        in_specs=[
            pl.BlockSpec((B, 12800), lambda: (0, 0)),
            pl.BlockSpec((12800, LATENT), lambda: (0, 0)),
            pl.BlockSpec((1, LATENT), lambda: (0, 0)),
            pl.BlockSpec((1, LATENT), lambda: (0, 0)),
            pl.BlockSpec((1, LATENT), lambda: (0, 0)),
            pl.BlockSpec((BUFP, LATENT), lambda: (0, 0)),
        ],
        out_specs=pl.BlockSpec((BUFP, B), lambda: (0, 0)),
        out_shape=jax.ShapeDtypeStruct((BUFP, B), jnp.float32),
    )(h3f, wfc_r, bfc.reshape(1, LATENT), gamma.reshape(1, LATENT),
      beta.reshape(1, LATENT), buf_p)

    dt4 = dt.reshape(BUFP, 16, 16).transpose(1, 0, 2).reshape(16, BUFP * 16)
    mesh = plsc.VectorSubcoreMesh(core_axis_name="c", subcore_axis_name="s")
    knn = pl.kernel(
        _topk_sc_body, mesh=mesh,
        out_type=jax.ShapeDtypeStruct((B,), jnp.float32),
        scratch_types=[pltpu.VMEM((BUFP * 16,), jnp.float32),
                       pltpu.VMEM((16,), jnp.float32)],
    )(dt4)

    reward = pl.pallas_call(
        _rew_body,
        out_shape=jax.ShapeDtypeStruct((2, 128), jnp.float32),
    )(knn.reshape(2, 128))

    return (probs, log_probs, value, reward.reshape(B))

# --- scband reference (transcript-rebuilt; emitter-appended) ---
"""Pipeline reference for scband-actor-critic-re3-11605001633898 (READ-ONLY COPY).

The authoritative reference and input builder live on the scoring server;
editing this copy changes nothing except your own understanding.
"""

import jax, jax.numpy as jnp
import numpy as np

B, C, H, W = 256, 4, 80, 80
LATENT = 50
BUF = 500
K = 3
NA = 6
HID = 512

def setup_inputs(seed: int = 0) -> dict:
    key = jax.random.key(seed)
    ks = jax.random.split(key, 16)
    inp = {}
    inp["x"] = jax.random.uniform(ks[0], (B, C, H, W), dtype=jnp.float32)
    # frozen RandomEncoder parameters
    inp["W1"] = jax.random.normal(ks[1], (32, C, 3, 3), dtype=jnp.float32) * 0.1
    inp["b1"] = jnp.zeros((32,), jnp.float32)
    inp["W2"] = jax.random.normal(ks[2], (64, 32, 3, 3), dtype=jnp.float32) * 0.06
    inp["b2"] = jnp.zeros((64,), jnp.float32)
    inp["W3"] = jax.random.normal(ks[3], (128, 64, 3, 3), dtype=jnp.float32) * 0.04
    inp["b3"] = jnp.zeros((128,), jnp.float32)
    inp["Wfc"] = jax.random.normal(ks[4], (LATENT, 128 * 10 * 10), dtype=jnp.float32) * 0.01
    inp["bfc"] = jnp.zeros((LATENT,), jnp.float32)
    inp["gamma"] = jnp.ones((LATENT,), jnp.float32)
    inp["beta"] = jnp.zeros((LATENT,), jnp.float32)
    # RE3 replay buffer of encoded states (tanh output range)
    inp["buffer"] = jnp.tanh(jax.random.normal(ks[5], (BUF, LATENT), dtype=jnp.float32))
    # actor-critic parameters (simple MLP head; ActorCritic class was not provided)
    inp["Wh"] = jax.random.normal(ks[6], (HID, C * H * W), dtype=jnp.float32) * 0.01
    inp["bh"] = jnp.zeros((HID,), jnp.float32)
    inp["Wa"] = jax.random.normal(ks[7], (NA, HID), dtype=jnp.float32) * 0.05
    inp["ba"] = jnp.zeros((NA,), jnp.float32)
    inp["Wv"] = jax.random.normal(ks[8], (1, HID), dtype=jnp.float32) * 0.05
    inp["bv"] = jnp.zeros((1,), jnp.float32)
    return inp

def _conv(x, w, b):
    y = jax.lax.conv_general_dilated(x, w, (2, 2), ((1, 1), (1, 1)), dimension_numbers=("NCHW", "OIHW", "NCHW"))
    return y + b[None, :, None, None]

def _encode(x, W1, b1, W2, b2, W3, b3, Wfc, bfc, gamma, beta):
    h = jax.nn.relu(_conv(x, W1, b1))
    h = jax.nn.relu(_conv(h, W2, b2))
    h = jax.nn.relu(_conv(h, W3, b3))
    h = h.reshape(h.shape[0], -1)
    h = h @ Wfc.T + bfc
    mu = h.mean(axis=-1, keepdims=True)
    var = h.var(axis=-1, keepdims=True)
    h = (h - mu) / jnp.sqrt(var + 1e-5) * gamma + beta
    return jnp.tanh(h)

def reference(x, W1, b1, W2, b2, W3, b3, Wfc, bfc, gamma, beta, buffer, Wh, bh, Wa, ba, Wv, bv):
    # actor-critic branch
    flat = x.reshape(x.shape[0], -1)
    hid = jax.nn.relu(flat @ Wh.T + bh)
    logits = hid @ Wa.T + ba
    probs = jax.nn.softmax(logits, axis=-1)
    log_probs = jax.nn.log_softmax(logits, axis=-1)
    value = hid @ Wv.T + bv
    # RE3 intrinsic reward: frozen random encoder + exact kNN against replay buffer (no_grad in torch)
    reps = jax.lax.stop_gradient(_encode(x, W1, b1, W2, b2, W3, b3, Wfc, bfc, gamma, beta))
    d2 = jnp.sum(reps * reps, axis=1, keepdims=True) + jnp.sum(buffer * buffer, axis=1)[None, :] - 2.0 * (reps @ buffer.T)
    d = jnp.sqrt(jnp.maximum(d2, 0.0))
    neg_topk, _ = jax.lax.top_k(-d, K)
    knn_dist = -neg_topk
    intrinsic_reward = -jnp.log(knn_dist.mean(axis=1) + 1e-8)
    return (probs, log_probs, value, intrinsic_reward)

if __name__ == "__main__":
    import jax
    _d = setup_inputs()
    print(jax.jit(kernel)(*tuple(_d.values())))

</pallas_src>

<mosaic_0001>
#map = affine_map<(d0, d1) -> (0, 0)>
#map1 = affine_map<(d0, d1) -> (0)>
module attributes {stable_mosaic.version = 14 : i64} {
  func.func @_topk_sc_body(%arg0: i32, %arg1: i32, %arg2: memref<16x8192xf32, #tpu.memory_space<hbm>>, %arg3: memref<256xf32, #tpu.memory_space<hbm>>, %arg4: memref<8192xf32, #tpu.memory_space<vmem>>, %arg5: memref<16xf32, #tpu.memory_space<vmem>>) attributes {dimension_semantics = [#tpu.dimension_semantics<core_parallel>, #tpu.dimension_semantics<subcore_parallel>], iteration_bounds = array<i64: 2, 16>, scalar_prefetch = 0 : i64, scratch_operands = 2 : i64, tpu.core_type = #tpu.core_type<sc_vector_subcore>, window_params = [{transform_indices = #map}, {transform_indices = #map1}]} {
    %mul3A = arith.constant 2 : i32
    %mul3A_0 = arith.muli %arg1, %mul3A : i32
    %add3A = arith.addi %mul3A_0, %arg0 : i32
    %lt3A = arith.constant 16 : i32
    %lt3A_1 = arith.cmpi slt, %add3A, %lt3A : i32
    %convert_element_type3A = arith.extui %lt3A_1 : i1 to i32
    %cond3A = arith.constant 0 : i32
    %cond3A_2 = arith.cmpi ne, %convert_element_type3A, %cond3A : i32
    scf.if %cond3A_2 {
      "tpu.region"() ({
        %run_scoped3A = tpu.sem_alloc : memref<!tpu.dma_semaphore, #tpu.memory_space<semaphore_mem>>
        %dma_start3A = arith.constant 0 : i32
        %dma_start3A_19 = tpu.memref_slice %arg2[%add3A, %dma_start3A] : memref<16x8192xf32, #tpu.memory_space<hbm>> -> memref<1x8192xf32, #tpu.memory_space<hbm>>
        %dma_start3A_20 = tpu.memref_squeeze %dma_start3A_19 : memref<1x8192xf32, #tpu.memory_space<hbm>> -> memref<8192xf32, #tpu.memory_space<hbm>>
        %dma_start3A_21 = arith.constant 0 : i32
        %dma_start3A_22 = tpu.memref_slice %arg2[%add3A, %dma_start3A_21] : memref<16x8192xf32, #tpu.memory_space<hbm>> -> memref<1x8192xf32, #tpu.memory_space<hbm>>
        %dma_start3A_23 = tpu.memref_squeeze %dma_start3A_22 : memref<1x8192xf32, #tpu.memory_space<hbm>> -> memref<8192xf32, #tpu.memory_space<hbm>>
        tpu.enqueue_dma source(%dma_start3A_23 : memref<8192xf32, #tpu.memory_space<hbm>>) target(%arg4 : memref<8192xf32, #tpu.memory_space<vmem>>) target_semaphore(%run_scoped3A : memref<!tpu.dma_semaphore, #tpu.memory_space<semaphore_mem>>)
        %dma_wait3A = arith.constant 0 : i32
        %dma_wait3A_24 = tpu.memref_slice %arg2[%add3A, %dma_wait3A] : memref<16x8192xf32, #tpu.memory_space<hbm>> -> memref<1x8192xf32, #tpu.memory_space<hbm>>
        %dma_wait3A_25 = tpu.memref_squeeze %dma_wait3A_24 : memref<1x8192xf32, #tpu.memory_space<hbm>> -> memref<8192xf32, #tpu.memory_space<hbm>>
        %dma_wait3A_26 = arith.constant 0 : i32
        %dma_wait3A_27 = tpu.memref_slice %arg2[%add3A, %dma_wait3A_26] : memref<16x8192xf32, #tpu.memory_space<hbm>> -> memref<1x8192xf32, #tpu.memory_space<hbm>>
        %dma_wait3A_28 = tpu.memref_squeeze %dma_wait3A_27 : memref<1x8192xf32, #tpu.memory_space<hbm>> -> memref<8192xf32, #tpu.memory_space<hbm>>
        tpu.wait_dma2 semaphore(%run_scoped3A : memref<!tpu.dma_semaphore, #tpu.memory_space<semaphore_mem>>) src(%dma_wait3A_28 : memref<8192xf32, #tpu.memory_space<hbm>>) dst(%arg4 : memref<8192xf32, #tpu.memory_space<vmem>>)
        tpu.yield
      }) : () -> ()
      %broadcast_in_dim3A = arith.constant 1.000000e+30 : f32
      %broadcast_in_dim3A_3 = vector.broadcast %broadcast_in_dim3A : f32 to vector<16xf32>
      %scan3A = arith.constant 0 : i32
      %scan3A_4 = arith.constant 512 : i32
      %scan3A_5 = arith.addi %scan3A, %scan3A_4 : i32
      %scan3A_6 = arith.constant 1 : i32
      %scan3A_7:3 = scf.for %scan3A_19 = %scan3A to %scan3A_5 step %scan3A_6 iter_args(%scan3A_20 = %broadcast_in_dim3A_3, %scan3A_21 = %broadcast_in_dim3A_3, %scan3A_22 = %broadcast_in_dim3A_3) -> (vector<16xf32>, vector<16xf32>, vector<16xf32>)  : i32 {
        %mul3A_23 = arith.constant 16 : i32
        %mul3A_24 = arith.muli %scan3A_19, %mul3A_23 : i32
        %get3A = arith.index_cast %mul3A_24 : i32 to index
        %get3A_25 = tpu.vector_load %arg4[%get3A] {strides = array<i32>} : memref<8192xf32, #tpu.memory_space<vmem>>, vector<16xf32>,
        %get3A_26 = vector.shape_cast %get3A_25 : vector<16xf32> to vector<16xf32>
        %max3A = arith.maximumf %scan3A_20, %get3A_26 : vector<16xf32>
        %min3A = arith.minimumf %scan3A_20, %get3A_26 : vector<16xf32>
        %max3A_27 = arith.maximumf %scan3A_21, %max3A : vector<16xf32>
        %min3A_28 = arith.minimumf %scan3A_21, %max3A : vector<16xf32>
        %min3A_29 = arith.minimumf %scan3A_22, %max3A_27 : vector<16xf32>
        scf.yield %min3A, %min3A_28, %min3A_29 : vector<16xf32>, vector<16xf32>, vector<16xf32>
      }
      %scan3A_8 = arith.constant 512 : i32
      %add3A_9 = arith.addf %scan3A_7#0, %scan3A_7#1 : vector<16xf32>
      %add3A_10 = arith.addf %add3A_9, %scan3A_7#2 : vector<16xf32>
      %mul3A_11 = arith.constant 0.333333343 : f32
      %mul3A_12 = vector.broadcast %mul3A_11 : f32 to vector<16xf32>
      %mul3A_13 = arith.mulf %add3A_10, %mul3A_12 : vector<16xf32>
      %swap3A = arith.constant 0 : index
      %swap3A_14 = tpu.vector_load %arg5[%swap3A] {strides = array<i32>} : memref<16xf32, #tpu.memory_space<vmem>>, vector<16xf32>,
      %swap3A_15 = vector.shape_cast %swap3A_14 : vector<16xf32> to vector<16xf32>
      %swap3A_16 = vector.shape_cast %mul3A_13 : vector<16xf32> to vector<16xf32>
      tpu.vector_store %arg5[%swap3A], %swap3A_16 {strides = array<i32>} : memref<16xf32, #tpu.memory_space<vmem>>, vector<16xf32>,
      %mul3A_17 = arith.constant 16 : i32
      %mul3A_18 = arith.muli %add3A, %mul3A_17 : i32
      "tpu.region"() ({
        %run_scoped3A = tpu.sem_alloc : memref<!tpu.dma_semaphore, #tpu.memory_space<semaphore_mem>>
        %dma_start3A = tpu.memref_slice %arg3[%mul3A_18] : memref<256xf32, #tpu.memory_space<hbm>> -> memref<16xf32, #tpu.memory_space<hbm>>
        %dma_start3A_19 = tpu.memref_slice %arg3[%mul3A_18] : memref<256xf32, #tpu.memory_space<hbm>> -> memref<16xf32, #tpu.memory_space<hbm>>
        tpu.enqueue_dma source(%arg5 : memref<16xf32, #tpu.memory_space<vmem>>) target(%dma_start3A_19 : memref<16xf32, #tpu.memory_space<hbm>>) target_semaphore(%run_scoped3A : memref<!tpu.dma_semaphore, #tpu.memory_space<semaphore_mem>>)
        %dma_wait3A = tpu.memref_slice %arg3[%mul3A_18] : memref<256xf32, #tpu.memory_space<hbm>> -> memref<16xf32, #tpu.memory_space<hbm>>
        %dma_wait3A_20 = tpu.memref_slice %arg3[%mul3A_18] : memref<256xf32, #tpu.memory_space<hbm>> -> memref<16xf32, #tpu.memory_space<hbm>>
        tpu.wait_dma2 semaphore(%run_scoped3A : memref<!tpu.dma_semaphore, #tpu.memory_space<semaphore_mem>>) src(%arg5 : memref<16xf32, #tpu.memory_space<vmem>>) dst(%dma_wait3A_20 : memref<16xf32, #tpu.memory_space<hbm>>)
        tpu.yield
      }) : () -> ()
    } else {
    }
    return
  }
}

module attributes {stable_mosaic.version = 14 : i64} {
  func.func @_enc_body(%arg0: i32, %arg1: memref<16x21x24x64xf32, #tpu.memory_space<vmem>>, %arg2: memref<4x64x128xf32, #tpu.memory_space<vmem>>, %arg3: memref<4x128x64xf32, #tpu.memory_space<vmem>>, %arg4: memref<4x256x128xf32, #tpu.memory_space<vmem>>, %arg5: memref<1x128xf32, #tpu.memory_space<vmem>>, %arg6: memref<1x64xf32, #tpu.memory_space<vmem>>, %arg7: memref<1x128xf32, #tpu.memory_space<vmem>>, %arg8: memref<16x10x10x128xf32, #tpu.memory_space<vmem>>) attributes {dimension_semantics = [#tpu.dimension_semantics<arbitrary>], iteration_bounds = array<i64: 16>, scalar_prefetch = 0 : i64, scratch_operands = 0 : i64, tpu.core_type = #tpu.core_type<tc>, window_params = [{transform_indices = @transform_0, window_bounds = array<i64: 16, 21, 24, 64>}, {pipeline_mode = #tpu.pipeline_mode<synchronous>, transform_indices = @transform_1, window_bounds = array<i64: 4, 64, 128>}, {pipeline_mode = #tpu.pipeline_mode<synchronous>, transform_indices = @transform_2, window_bounds = array<i64: 4, 128, 64>}, {pipeline_mode = #tpu.pipeline_mode<synchronous>, transform_indices = @transform_3, window_bounds = array<i64: 4, 256, 128>}, {pipeline_mode = #tpu.pipeline_mode<synchronous>, transform_indices = @transform_4, window_bounds = array<i64: 1, 128>}, {pipeline_mode = #tpu.pipeline_mode<synchronous>, transform_indices = @transform_5, window_bounds = array<i64: 1, 64>}, {pipeline_mode = #tpu.pipeline_mode<synchronous>, transform_indices = @transform_6, window_bounds = array<i64: 1, 128>}, {transform_indices = @transform_7, window_bounds = array<i64: 16, 10, 10, 128>}]} {
    %get3A = arith.constant 0 : index
    %get3A_0 = arith.constant 0 : index
    %get3A_1 = arith.constant 0 : index
    %get3A_2 = arith.constant 0 : index
    %get3A_3 = vector.load %arg1[%get3A, %get3A_0, %get3A_1, %get3A_2] : memref<16x21x24x64xf32, #tpu.memory_space<vmem>>, vector<16x21x24x64xf32>
    %reshape3A = vector.shape_cast %get3A_3 : vector<16x21x24x64xf32> to vector<8064x64xf32>
    %get3A_4 = arith.constant 0 : index
    %get3A_5 = arith.constant 0 : index
    %get3A_6 = arith.constant 0 : index
    %get3A_7 = vector.load %arg2[%get3A_4, %get3A_5, %get3A_6] : memref<4x64x128xf32, #tpu.memory_space<vmem>>, vector<1x64x128xf32>
    %get3A_8 = vector.shape_cast %get3A_7 : vector<1x64x128xf32> to vector<64x128xf32>
    %dot_general3A = arith.constant dense<0.000000e+00> : vector<8064x128xf32>
    %dot_general3A_9 = tpu.matmul %reshape3A, %get3A_8, %dot_general3A {dimension_numbers = #tpu.dot_dimension_numbers<[1], [0], [0], [1], [0, 0, 1, 1], [], []>, transpose_lhs_hint = false} : vector<8064x64xf32>, vector<64x128xf32>, vector<8064x128xf32> -> vector<8064x128xf32>
    %reshape3A_10 = vector.shape_cast %dot_general3A_9 : vector<8064x128xf32> to vector<16x21x24x128xf32>
    %get3A_11 = arith.constant 1 : index
    %get3A_12 = arith.constant 0 : index
    %get3A_13 = arith.constant 0 : index
    %get3A_14 = vector.load %arg2[%get3A_11, %get3A_12, %get3A_13] : memref<4x64x128xf32, #tpu.memory_space<vmem>>, vector<1x64x128xf32>
    %get3A_15 = vector.shape_cast %get3A_14 : vector<1x64x128xf32> to vector<64x128xf32>
    %dot_general3A_16 = arith.constant dense<0.000000e+00> : vector<8064x128xf32>
    %dot_general3A_17 = tpu.matmul %reshape3A, %get3A_15, %dot_general3A_16 {dimension_numbers = #tpu.dot_dimension_numbers<[1], [0], [0], [1], [0, 0, 1, 1], [], []>, transpose_lhs_hint = false} : vector<8064x64xf32>, vector<64x128xf32>, vector<8064x128xf32> -> vector<8064x128xf32>
    %reshape3A_18 = vector.shape_cast %dot_general3A_17 : vector<8064x128xf32> to vector<16x21x24x128xf32>
    %get3A_19 = arith.constant 2 : index
    %get3A_20 = arith.constant 0 : index
    %get3A_21 = arith.constant 0 : index
    %get3A_22 = vector.load %arg2[%get3A_19, %get3A_20, %get3A_21] : memref<4x64x128xf32, #tpu.memory_space<vmem>>, vector<1x64x128xf32>
    %get3A_23 = vector.shape_cast %get3A_22 : vector<1x64x128xf32> to vector<64x128xf32>
    %dot_general3A_24 = arith.constant dense<0.000000e+00> : vector<8064x128xf32>
    %dot_general3A_25 = tpu.matmul %reshape3A, %get3A_23, %dot_general3A_24 {dimension_numbers = #tpu.dot_dimension_numbers<[1], [0], [0], [1], [0, 0, 1, 1], [], []>, transpose_lhs_hint = false} : vector<8064x64xf32>, vector<64x128xf32>, vector<8064x128xf32> -> vector<8064x128xf32>
    %reshape3A_26 = vector.shape_cast %dot_general3A_25 : vector<8064x128xf32> to vector<16x21x24x128xf32>
    %get3A_27 = arith.constant 3 : index
    %get3A_28 = arith.constant 0 : index
    %get3A_29 = arith.constant 0 : index
    %get3A_30 = vector.load %arg2[%get3A_27, %get3A_28, %get3A_29] : memref<4x64x128xf32, #tpu.memory_space<vmem>>, vector<1x64x128xf32>
    %get3A_31 = vector.shape_cast %get3A_30 : vector<1x64x128xf32> to vector<64x128xf32>
    %dot_general3A_32 = arith.constant dense<0.000000e+00> : vector<8064x128xf32>
    %dot_general3A_33 = tpu.matmul %reshape3A, %get3A_31, %dot_general3A_32 {dimension_numbers = #tpu.dot_dimension_numbers<[1], [0], [0], [1], [0, 0, 1, 1], [], []>, transpose_lhs_hint = false} : vector<8064x64xf32>, vector<64x128xf32>, vector<8064x128xf32> -> vector<8064x128xf32>
    %reshape3A_34 = vector.shape_cast %dot_general3A_33 : vector<8064x128xf32> to vector<16x21x24x128xf32>
    %slice3A = vector.extract_strided_slice %reshape3A_18 {offsets = [0, 0, 0, 0], sizes = [16, 20, 24, 128], strides = [1, 1, 1, 1]} : vector<16x21x24x128xf32> to vector<16x20x24x128xf32>
    %jit3A = arith.constant 0 : i32
    %convert_element_type3A = arith.sitofp %jit3A : i32 to f32
    %pad3A = vector.broadcast %convert_element_type3A : f32 to vector<16x1x24x128xf32>
    %pad3A_35 = tpu.concatenate %pad3A, %slice3A in 1 : vector<16x1x24x128xf32>, vector<16x20x24x128xf32> -> vector<16x21x24x128xf32>
    %add3A = arith.addf %reshape3A_34, %pad3A_35 : vector<16x21x24x128xf32>
    %slice3A_36 = vector.extract_strided_slice %reshape3A_26 {offsets = [0, 0, 0, 0], sizes = [16, 21, 23, 128], strides = [1, 1, 1, 1]} : vector<16x21x24x128xf32> to vector<16x21x23x128xf32>
    %jit3A_37 = arith.constant 0 : i32
    %convert_element_type3A_38 = arith.sitofp %jit3A_37 : i32 to f32
    %pad3A_39 = vector.broadcast %convert_element_type3A_38 : f32 to vector<16x21x1x128xf32>
    %pad3A_40 = tpu.concatenate %pad3A_39, %slice3A_36 in 2 : vector<16x21x1x128xf32>, vector<16x21x23x128xf32> -> vector<16x21x24x128xf32>
    %add3A_41 = arith.addf %add3A, %pad3A_40 : vector<16x21x24x128xf32>
    %slice3A_42 = vector.extract_strided_slice %reshape3A_10 {offsets = [0, 0, 0, 0], sizes = [16, 20, 23, 128], strides = [1, 1, 1, 1]} : vector<16x21x24x128xf32> to vector<16x20x23x128xf32>
    %jit3A_43 = arith.constant 0 : i32
    %convert_element_type3A_44 = arith.sitofp %jit3A_43 : i32 to f32
    %pad3A_45 = vector.broadcast %convert_element_type3A_44 : f32 to vector<16x1x23x128xf32>
    %pad3A_46 = tpu.concatenate %pad3A_45, %slice3A_42 in 1 : vector<16x1x23x128xf32>, vector<16x20x23x128xf32> -> vector<16x21x23x128xf32>
    %pad3A_47 = vector.broadcast %convert_element_type3A_44 : f32 to vector<16x21x1x128xf32>
    %pad3A_48 = tpu.concatenate %pad3A_47, %pad3A_46 in 2 : vector<16x21x1x128xf32>, vector<16x21x23x128xf32> -> vector<16x21x24x128xf32>
    %add3A_49 = arith.addf %add3A_41, %pad3A_48 : vector<16x21x24x128xf32>
    %get3A_50 = arith.constant 0 : index
    %get3A_51 = arith.constant 0 : index
    %get3A_52 = vector.load %arg5[%get3A_50, %get3A_51] : memref<1x128xf32, #tpu.memory_space<vmem>>, vector<1x128xf32>
    %reshape3A_53 = vector.shape_cast %get3A_52 : vector<1x128xf32> to vector<1x1x1x128xf32>
    %add3A_54 = vector.broadcast %reshape3A_53 : vector<1x1x1x128xf32> to vector<16x21x24x128xf32>
    %add3A_55 = arith.addf %add3A_49, %add3A_54 : vector<16x21x24x128xf32>
    %max3A = arith.constant 0.000000e+00 : f32
    %max3A_56 = vector.broadcast %max3A : f32 to vector<16x21x24x128xf32>
    %max3A_57 = arith.maximumf %add3A_55, %max3A_56 : vector<16x21x24x128xf32>
    %iota3A = tpu.iota {dimensions = array<i32: 1>} : vector<1x21x24x128xi32>
    %iota3A_58 = tpu.iota {dimensions = array<i32: 2>} : vector<1x21x24x128xi32>
    %iota3A_59 = tpu.iota {dimensions = array<i32: 3>} : vector<1x21x24x128xi32>
    %jit3A_60 = arith.constant 64 : i32
    %div3A = vector.broadcast %jit3A_60 : i32 to vector<1x21x24x128xi32>
    %div3A_61 = arith.divsi %iota3A_59, %div3A : vector<1x21x24x128xi32>
    %sign3A = arith.constant 0 : i32
    %sign3A_62 = vector.broadcast %sign3A : i32 to vector<1x21x24x128xi32>
    %sign3A_63 = arith.cmpi sgt, %iota3A_59, %sign3A_62 : vector<1x21x24x128xi32>
    %sign3A_64 = arith.extui %sign3A_63 : vector<1x21x24x128xi1> to vector<1x21x24x128xi32>
    %sign3A_65 = arith.constant 0 : i32
    %sign3A_66 = vector.broadcast %sign3A_65 : i32 to vector<1x21x24x128xi32>
    %sign3A_67 = arith.cmpi slt, %iota3A_59, %sign3A_66 : vector<1x21x24x128xi32>
    %sign3A_68 = arith.extui %sign3A_67 : vector<1x21x24x128xi1> to vector<1x21x24x128xi32>
    %sign3A_69 = arith.subi %sign3A_64, %sign3A_68 : vector<1x21x24x128xi32>
    %sign3A_70 = arith.constant 0 : i32
    %sign3A_71 = arith.cmpi sgt, %jit3A_60, %sign3A_70 : i32
    %sign3A_72 = arith.extui %sign3A_71 : i1 to i32
    %sign3A_73 = arith.constant 0 : i32
    %sign3A_74 = arith.cmpi slt, %jit3A_60, %sign3A_73 : i32
    %sign3A_75 = arith.extui %sign3A_74 : i1 to i32
    %sign3A_76 = arith.subi %sign3A_72, %sign3A_75 : i32
    %ne3A = vector.broadcast %sign3A_76 : i32 to vector<1x21x24x128xi32>
    %ne3A_77 = arith.cmpi ne, %sign3A_69, %ne3A : vector<1x21x24x128xi32>
    %rem3A = vector.broadcast %jit3A_60 : i32 to vector<1x21x24x128xi32>
    %rem3A_78 = arith.remsi %iota3A_59, %rem3A : vector<1x21x24x128xi32>
    %ne3A_79 = arith.constant 0 : i32
    %ne3A_80 = vector.broadcast %ne3A_79 : i32 to vector<1x21x24x128xi32>
    %ne3A_81 = arith.cmpi ne, %rem3A_78, %ne3A_80 : vector<1x21x24x128xi32>
    %and3A = arith.andi %ne3A_77, %ne3A_81 : vector<1x21x24x128xi1>
    %sub3A = arith.constant 1 : i32
    %sub3A_82 = vector.broadcast %sub3A : i32 to vector<1x21x24x128xi32>
    %sub3A_83 = arith.subi %div3A_61, %sub3A_82 : vector<1x21x24x128xi32>
    %select_n3A = arith.select %and3A, %sub3A_83, %div3A_61 : vector<1x21x24x128xi1>, vector<1x21x24x128xi32>
    %jit3A_84 = arith.constant 32 : i32
    %div3A_85 = vector.broadcast %jit3A_84 : i32 to vector<1x21x24x128xi32>
    %div3A_86 = arith.divsi %iota3A_59, %div3A_85 : vector<1x21x24x128xi32>
    %sign3A_87 = arith.constant 0 : i32
    %sign3A_88 = vector.broadcast %sign3A_87 : i32 to vector<1x21x24x128xi32>
    %sign3A_89 = arith.cmpi sgt, %iota3A_59, %sign3A_88 : vector<1x21x24x128xi32>
    %sign3A_90 = arith.extui %sign3A_89 : vector<1x21x24x128xi1> to vector<1x21x24x128xi32>
    %sign3A_91 = arith.constant 0 : i32
    %sign3A_92 = vector.broadcast %sign3A_91 : i32 to vector<1x21x24x128xi32>
    %sign3A_93 = arith.cmpi slt, %iota3A_59, %sign3A_92 : vector<1x21x24x128xi32>
    %sign3A_94 = arith.extui %sign3A_93 : vector<1x21x24x128xi1> to vector<1x21x24x128xi32>
    %sign3A_95 = arith.subi %sign3A_90, %sign3A_94 : vector<1x21x24x128xi32>
    %sign3A_96 = arith.constant 0 : i32
    %sign3A_97 = arith.cmpi sgt, %jit3A_84, %sign3A_96 : i32
    %sign3A_98 = arith.extui %sign3A_97 : i1 to i32
    %sign3A_99 = arith.constant 0 : i32
    %sign3A_100 = arith.cmpi slt, %jit3A_84, %sign3A_99 : i32
    %sign3A_101 = arith.extui %sign3A_100 : i1 to i32
    %sign3A_102 = arith.subi %sign3A_98, %sign3A_101 : i32
    %ne3A_103 = vector.broadcast %sign3A_102 : i32 to vector<1x21x24x128xi32>
    %ne3A_104 = arith.cmpi ne, %sign3A_95, %ne3A_103 : vector<1x21x24x128xi32>
    %rem3A_105 = vector.broadcast %jit3A_84 : i32 to vector<1x21x24x128xi32>
    %rem3A_106 = arith.remsi %iota3A_59, %rem3A_105 : vector<1x21x24x128xi32>
    %ne3A_107 = arith.constant 0 : i32
    %ne3A_108 = vector.broadcast %ne3A_107 : i32 to vector<1x21x24x128xi32>
    %ne3A_109 = arith.cmpi ne, %rem3A_106, %ne3A_108 : vector<1x21x24x128xi32>
    %and3A_110 = arith.andi %ne3A_104, %ne3A_109 : vector<1x21x24x128xi1>
    %sub3A_111 = arith.constant 1 : i32
    %sub3A_112 = vector.broadcast %sub3A_111 : i32 to vector<1x21x24x128xi32>
    %sub3A_113 = arith.subi %div3A_86, %sub3A_112 : vector<1x21x24x128xi32>
    %select_n3A_114 = arith.select %and3A_110, %sub3A_113, %div3A_86 : vector<1x21x24x128xi1>, vector<1x21x24x128xi32>
    %jit3A_115 = arith.constant 2 : i32
    %eq3A = arith.constant 0 : i32
    %eq3A_116 = arith.cmpi eq, %jit3A_115, %eq3A : i32
    %jit3A_117 = arith.constant 1 : i32
    %select_n3A_118 = arith.select %eq3A_116, %jit3A_117, %jit3A_115 : i32
    %rem3A_119 = vector.broadcast %select_n3A_118 : i32 to vector<1x21x24x128xi32>
    %rem3A_120 = arith.remsi %select_n3A_114, %rem3A_119 : vector<1x21x24x128xi32>
    %ne3A_121 = arith.constant 0 : i32
    %ne3A_122 = vector.broadcast %ne3A_121 : i32 to vector<1x21x24x128xi32>
    %ne3A_123 = arith.cmpi ne, %rem3A_120, %ne3A_122 : vector<1x21x24x128xi32>
    %lt3A = arith.constant 0 : i32
    %lt3A_124 = vector.broadcast %lt3A : i32 to vector<1x21x24x128xi32>
    %lt3A_125 = arith.cmpi slt, %rem3A_120, %lt3A_124 : vector<1x21x24x128xi32>
    %lt3A_126 = arith.constant 0 : i32
    %lt3A_127 = arith.cmpi slt, %select_n3A_118, %lt3A_126 : i32
    %ne3A_128 = vector.broadcast %lt3A_127 : i1 to vector<1x21x24x128xi1>
    %ne3A_129 = vector.broadcast %ne3A_128 : vector<1x21x24x128xi1> to vector<1x21x24x128xi1>
    %ne3A_130 = arith.xori %lt3A_125, %ne3A_129 : vector<1x21x24x128xi1>
    %and3A_131 = arith.andi %ne3A_130, %ne3A_123 : vector<1x21x24x128xi1>
    %add3A_132 = vector.broadcast %select_n3A_118 : i32 to vector<1x21x24x128xi32>
    %add3A_133 = arith.addi %rem3A_120, %add3A_132 : vector<1x21x24x128xi32>
    %select_n3A_134 = arith.select %and3A_131, %add3A_133, %rem3A_120 : vector<1x21x24x128xi1>, vector<1x21x24x128xi32>
    %eq3A_135 = arith.constant 0 : i32
    %eq3A_136 = vector.broadcast %eq3A_135 : i32 to vector<1x21x24x128xi32>
    %eq3A_137 = arith.cmpi eq, %select_n3A, %eq3A_136 : vector<1x21x24x128xi32>
    %eq3A_138 = arith.constant 0 : i32
    %eq3A_139 = vector.broadcast %eq3A_138 : i32 to vector<1x21x24x128xi32>
    %eq3A_140 = arith.cmpi eq, %iota3A, %eq3A_139 : vector<1x21x24x128xi32>
    %and3A_141 = arith.andi %eq3A_137, %eq3A_140 : vector<1x21x24x128xi1>
    %eq3A_142 = arith.constant 1 : i32
    %eq3A_143 = vector.broadcast %eq3A_142 : i32 to vector<1x21x24x128xi32>
    %eq3A_144 = arith.cmpi eq, %select_n3A, %eq3A_143 : vector<1x21x24x128xi32>
    %eq3A_145 = arith.constant 20 : i32
    %eq3A_146 = vector.broadcast %eq3A_145 : i32 to vector<1x21x24x128xi32>
    %eq3A_147 = arith.cmpi eq, %iota3A, %eq3A_146 : vector<1x21x24x128xi32>
    %and3A_148 = arith.andi %eq3A_144, %eq3A_147 : vector<1x21x24x128xi1>
    %or3A = arith.ori %and3A_141, %and3A_148 : vector<1x21x24x128xi1>
    %eq3A_149 = arith.constant 0 : i32
    %eq3A_150 = vector.broadcast %eq3A_149 : i32 to vector<1x21x24x128xi32>
    %eq3A_151 = arith.cmpi eq, %select_n3A_134, %eq3A_150 : vector<1x21x24x128xi32>
    %eq3A_152 = arith.constant 0 : i32
    %eq3A_153 = vector.broadcast %eq3A_152 : i32 to vector<1x21x24x128xi32>
    %eq3A_154 = arith.cmpi eq, %iota3A_58, %eq3A_153 : vector<1x21x24x128xi32>
    %and3A_155 = arith.andi %eq3A_151, %eq3A_154 : vector<1x21x24x128xi1>
    %or3A_156 = arith.ori %or3A, %and3A_155 : vector<1x21x24x128xi1>
    %eq3A_157 = arith.constant 1 : i32
    %eq3A_158 = vector.broadcast %eq3A_157 : i32 to vector<1x21x24x128xi32>
    %eq3A_159 = arith.cmpi eq, %select_n3A_134, %eq3A_158 : vector<1x21x24x128xi32>
    %ge3A = arith.constant 20 : i32
    %ge3A_160 = vector.broadcast %ge3A : i32 to vector<1x21x24x128xi32>
    %ge3A_161 = arith.cmpi sge, %iota3A_58, %ge3A_160 : vector<1x21x24x128xi32>
    %and3A_162 = arith.andi %eq3A_159, %ge3A_161 : vector<1x21x24x128xi1>
    %or3A_163 = arith.ori %or3A_156, %and3A_162 : vector<1x21x24x128xi1>
    %jit3A_164 = arith.constant 0.000000e+00 : f32
    %broadcast_in_dim3A = vector.shape_cast %or3A_163 : vector<1x21x24x128xi1> to vector<1x21x24x128xi1>
    %broadcast_in_dim3A_165 = vector.broadcast %broadcast_in_dim3A : vector<1x21x24x128xi1> to vector<16x21x24x128xi1>
    %broadcast_in_dim3A_166 = vector.broadcast %jit3A_164 : f32 to vector<16x21x24x128xf32>
    %select_n3A_167 = arith.select %broadcast_in_dim3A_165, %broadcast_in_dim3A_166, %max3A_57 : vector<16x21x24x128xi1>, vector<16x21x24x128xf32>
    %reshape3A_168 = vector.shape_cast %select_n3A_167 : vector<16x21x24x128xf32> to vector<8064x128xf32>
    %get3A_169 = arith.constant 0 : index
    %get3A_170 = arith.constant 0 : index
    %get3A_171 = arith.constant 0 : index
    %get3A_172 = vector.load %arg3[%get3A_169, %get3A_170, %get3A_171] : memref<4x128x64xf32, #tpu.memory_space<vmem>>, vector<1x128x64xf32>
    %get3A_173 = vector.shape_cast %get3A_172 : vector<1x128x64xf32> to vector<128x64xf32>
    %dot_general3A_174 = arith.constant dense<0.000000e+00> : vector<8064x64xf32>
    %dot_general3A_175 = tpu.matmul %reshape3A_168, %get3A_173, %dot_general3A_174 {dimension_numbers = #tpu.dot_dimension_numbers<[1], [0], [0], [1], [0, 0, 1, 1], [], []>, transpose_lhs_hint = false} : vector<8064x128xf32>, vector<128x64xf32>, vector<8064x64xf32> -> vector<8064x64xf32>
    %reshape3A_176 = vector.shape_cast %dot_general3A_175 : vector<8064x64xf32> to vector<16x21x24x64xf32>
    %get3A_177 = arith.constant 1 : index
    %get3A_178 = arith.constant 0 : index
    %get3A_179 = arith.constant 0 : index
    %get3A_180 = vector.load %arg3[%get3A_177, %get3A_178, %get3A_179] : memref<4x128x64xf32, #tpu.memory_space<vmem>>, vector<1x128x64xf32>
    %get3A_181 = vector.shape_cast %get3A_180 : vector<1x128x64xf32> to vector<128x64xf32>
    %dot_general3A_182 = arith.constant dense<0.000000e+00> : vector<8064x64xf32>
    %dot_general3A_183 = tpu.matmul %reshape3A_168, %get3A_181, %dot_general3A_182 {dimension_numbers = #tpu.dot_dimension_numbers<[1], [0], [0], [1], [0, 0, 1, 1], [], []>, transpose_lhs_hint = false} : vector<8064x128xf32>, vector<128x64xf32>, vector<8064x64xf32> -> vector<8064x64xf32>
    %reshape3A_184 = vector.shape_cast %dot_general3A_183 : vector<8064x64xf32> to vector<16x21x24x64xf32>
    %get3A_185 = arith.constant 2 : index
    %get3A_186 = arith.constant 0 : index
    %get3A_187 = arith.constant 0 : index
    %get3A_188 = vector.load %arg3[%get3A_185, %get3A_186, %get3A_187] : memref<4x128x64xf32, #tpu.memory_space<vmem>>, vector<1x128x64xf32>
    %get3A_189 = vector.shape_cast %get3A_188 : vector<1x128x64xf32> to vector<128x64xf32>
    %dot_general3A_190 = arith.constant dense<0.000000e+00> : vector<8064x64xf32>
    %dot_general3A_191 = tpu.matmul %reshape3A_168, %get3A_189, %dot_general3A_190 {dimension_numbers = #tpu.dot_dimension_numbers<[1], [0], [0], [1], [0, 0, 1, 1], [], []>, transpose_lhs_hint = false} : vector<8064x128xf32>, vector<128x64xf32>, vector<8064x64xf32> -> vector<8064x64xf32>
    %reshape3A_192 = vector.shape_cast %dot_general3A_191 : vector<8064x64xf32> to vector<16x21x24x64xf32>
    %get3A_193 = arith.constant 3 : index
    %get3A_194 = arith.constant 0 : index
    %get3A_195 = arith.constant 0 : index
    %get3A_196 = vector.load %arg3[%get3A_193, %get3A_194, %get3A_195] : memref<4x128x64xf32, #tpu.memory_space<vmem>>, vector<1x128x64xf32>
    %get3A_197 = vector.shape_cast %get3A_196 : vector<1x128x64xf32> to vector<128x64xf32>
    %dot_general3A_198 = arith.constant dense<0.000000e+00> : vector<8064x64xf32>
    %dot_general3A_199 = tpu.matmul %reshape3A_168, %get3A_197, %dot_general3A_198 {dimension_numbers = #tpu.dot_dimension_numbers<[1], [0], [0], [1], [0, 0, 1, 1], [], []>, transpose_lhs_hint = false} : vector<8064x128xf32>, vector<128x64xf32>, vector<8064x64xf32> -> vector<8064x64xf32>
    %reshape3A_200 = vector.shape_cast %dot_general3A_199 : vector<8064x64xf32> to vector<16x21x24x64xf32>
    %slice3A_201 = vector.extract_strided_slice %reshape3A_176 {offsets = [0, 0, 0, 0], sizes = [16, 20, 20, 64], strides = [1, 1, 1, 1]} : vector<16x21x24x64xf32> to vector<16x20x20x64xf32>
    %slice3A_202 = vector.extract_strided_slice %reshape3A_184 {offsets = [0, 0, 1, 0], sizes = [16, 20, 20, 64], strides = [1, 1, 1, 1]} : vector<16x21x24x64xf32> to vector<16x20x20x64xf32>
    %add3A_203 = arith.addf %slice3A_201, %slice3A_202 : vector<16x20x20x64xf32>
    %slice3A_204 = vector.extract_strided_slice %reshape3A_192 {offsets = [0, 1, 0, 0], sizes = [16, 20, 20, 64], strides = [1, 1, 1, 1]} : vector<16x21x24x64xf32> to vector<16x20x20x64xf32>
    %add3A_205 = arith.addf %add3A_203, %slice3A_204 : vector<16x20x20x64xf32>
    %slice3A_206 = vector.extract_strided_slice %reshape3A_200 {offsets = [0, 1, 1, 0], sizes = [16, 20, 20, 64], strides = [1, 1, 1, 1]} : vector<16x21x24x64xf32> to vector<16x20x20x64xf32>
    %add3A_207 = arith.addf %add3A_205, %slice3A_206 : vector<16x20x20x64xf32>
    %get3A_208 = arith.constant 0 : index
    %get3A_209 = arith.constant 0 : index
    %get3A_210 = vector.load %arg6[%get3A_208, %get3A_209] : memref<1x64xf32, #tpu.memory_space<vmem>>, vector<1x64xf32>
    %reshape3A_211 = vector.shape_cast %get3A_210 : vector<1x64xf32> to vector<1x1x1x64xf32>
    %add3A_212 = vector.broadcast %reshape3A_211 : vector<1x1x1x64xf32> to vector<16x20x20x64xf32>
    %add3A_213 = arith.addf %add3A_207, %add3A_212 : vector<16x20x20x64xf32>
    %max3A_214 = arith.constant 0.000000e+00 : f32
    %max3A_215 = vector.broadcast %max3A_214 : f32 to vector<16x20x20x64xf32>
    %max3A_216 = arith.maximumf %add3A_213, %max3A_215 : vector<16x20x20x64xf32>
    %reshape3A_217 = vector.shape_cast %max3A_216 : vector<16x20x20x64xf32> to vector<16x10x2x20x64xf32>
    %slice3A_218 = vector.extract_strided_slice %reshape3A_217 {offsets = [0, 0, 0, 0, 0], sizes = [16, 10, 1, 20, 64], strides = [1, 1, 1, 1, 1]} : vector<16x10x2x20x64xf32> to vector<16x10x1x20x64xf32>
    %squeeze3A = vector.shape_cast %slice3A_218 : vector<16x10x1x20x64xf32> to vector<16x10x20x64xf32>
    %slice3A_219 = vector.extract_strided_slice %reshape3A_217 {offsets = [0, 0, 1, 0, 0], sizes = [16, 10, 1, 20, 64], strides = [1, 1, 1, 1, 1]} : vector<16x10x2x20x64xf32> to vector<16x10x1x20x64xf32>
    %squeeze3A_220 = vector.shape_cast %slice3A_219 : vector<16x10x1x20x64xf32> to vector<16x10x20x64xf32>
    %broadcast_in_dim3A_221 = arith.constant 0.000000e+00 : f32
    %broadcast_in_dim3A_222 = vector.broadcast %broadcast_in_dim3A_221 : f32 to vector<16x1x20x64xf32>
    %concatenate3A = tpu.concatenate %broadcast_in_dim3A_222, %squeeze3A_220 in 1 : vector<16x1x20x64xf32>, vector<16x10x20x64xf32> -> vector<16x11x20x64xf32>
    %concatenate3A_223 = tpu.concatenate %squeeze3A, %broadcast_in_dim3A_222 in 1 : vector<16x10x20x64xf32>, vector<16x1x20x64xf32> -> vector<16x11x20x64xf32>
    %broadcast_in_dim3A_224 = arith.constant 0.000000e+00 : f32
    %broadcast_in_dim3A_225 = vector.broadcast %broadcast_in_dim3A_224 : f32 to vector<16x11x1x64xf32>
    %broadcast_in_dim3A_226 = arith.constant 0.000000e+00 : f32
    %broadcast_in_dim3A_227 = vector.broadcast %broadcast_in_dim3A_226 : f32 to vector<16x11x5x64xf32>
    %reshape3A_228 = vector.shape_cast %concatenate3A : vector<16x11x20x64xf32> to vector<16x11x10x2x64xf32>
    %slice3A_229 = vector.extract_strided_slice %reshape3A_228 {offsets = [0, 0, 0, 0, 0], sizes = [16, 11, 10, 1, 64], strides = [1, 1, 1, 1, 1]} : vector<16x11x10x2x64xf32> to vector<16x11x10x1x64xf32>
    %squeeze3A_230 = vector.shape_cast %slice3A_229 : vector<16x11x10x1x64xf32> to vector<16x11x10x64xf32>
    %slice3A_231 = vector.extract_strided_slice %reshape3A_228 {offsets = [0, 0, 0, 1, 0], sizes = [16, 11, 10, 1, 64], strides = [1, 1, 1, 1, 1]} : vector<16x11x10x2x64xf32> to vector<16x11x10x1x64xf32>
    %squeeze3A_232 = vector.shape_cast %slice3A_231 : vector<16x11x10x1x64xf32> to vector<16x11x10x64xf32>
    %concatenate3A_233 = tpu.concatenate %broadcast_in_dim3A_225, %squeeze3A_232, %broadcast_in_dim3A_227 in 2 : vector<16x11x1x64xf32>, vector<16x11x10x64xf32>, vector<16x11x5x64xf32> -> vector<16x11x16x64xf32>
    %concatenate3A_234 = tpu.concatenate %squeeze3A_230, %broadcast_in_dim3A_225, %broadcast_in_dim3A_227 in 2 : vector<16x11x10x64xf32>, vector<16x11x1x64xf32>, vector<16x11x5x64xf32> -> vector<16x11x16x64xf32>
    %reshape3A_235 = vector.shape_cast %concatenate3A_223 : vector<16x11x20x64xf32> to vector<16x11x10x2x64xf32>
    %slice3A_236 = vector.extract_strided_slice %reshape3A_235 {offsets = [0, 0, 0, 0, 0], sizes = [16, 11, 10, 1, 64], strides = [1, 1, 1, 1, 1]} : vector<16x11x10x2x64xf32> to vector<16x11x10x1x64xf32>
    %squeeze3A_237 = vector.shape_cast %slice3A_236 : vector<16x11x10x1x64xf32> to vector<16x11x10x64xf32>
    %slice3A_238 = vector.extract_strided_slice %reshape3A_235 {offsets = [0, 0, 0, 1, 0], sizes = [16, 11, 10, 1, 64], strides = [1, 1, 1, 1, 1]} : vector<16x11x10x2x64xf32> to vector<16x11x10x1x64xf32>
    %squeeze3A_239 = vector.shape_cast %slice3A_238 : vector<16x11x10x1x64xf32> to vector<16x11x10x64xf32>
    %concatenate3A_240 = tpu.concatenate %broadcast_in_dim3A_225, %squeeze3A_239, %broadcast_in_dim3A_227 in 2 : vector<16x11x1x64xf32>, vector<16x11x10x64xf32>, vector<16x11x5x64xf32> -> vector<16x11x16x64xf32>
    %concatenate3A_241 = tpu.concatenate %squeeze3A_237, %broadcast_in_dim3A_225, %broadcast_in_dim3A_227 in 2 : vector<16x11x10x64xf32>, vector<16x11x1x64xf32>, vector<16x11x5x64xf32> -> vector<16x11x16x64xf32>
    %concatenate3A_242 = tpu.concatenate %concatenate3A_233, %concatenate3A_234, %concatenate3A_240, %concatenate3A_241 in 3 : vector<16x11x16x64xf32>, vector<16x11x16x64xf32>, vector<16x11x16x64xf32>, vector<16x11x16x64xf32> -> vector<16x11x16x256xf32>
    %reshape3A_243 = vector.shape_cast %concatenate3A_242 : vector<16x11x16x256xf32> to vector<2816x256xf32>
    %get3A_244 = arith.constant 0 : index
    %get3A_245 = arith.constant 0 : index
    %get3A_246 = arith.constant 0 : index
    %get3A_247 = vector.load %arg4[%get3A_244, %get3A_245, %get3A_246] : memref<4x256x128xf32, #tpu.memory_space<vmem>>, vector<1x256x128xf32>
    %get3A_248 = vector.shape_cast %get3A_247 : vector<1x256x128xf32> to vector<256x128xf32>
    %dot_general3A_249 = arith.constant dense<0.000000e+00> : vector<2816x128xf32>
    %dot_general3A_250 = tpu.matmul %reshape3A_243, %get3A_248, %dot_general3A_249 {dimension_numbers = #tpu.dot_dimension_numbers<[1], [0], [0], [1], [0, 0, 1, 1], [], []>, transpose_lhs_hint = false} : vector<2816x256xf32>, vector<256x128xf32>, vector<2816x128xf32> -> vector<2816x128xf32>
    %reshape3A_251 = vector.shape_cast %dot_general3A_250 : vector<2816x128xf32> to vector<16x11x16x128xf32>
    %get3A_252 = arith.constant 1 : index
    %get3A_253 = arith.constant 0 : index
    %get3A_254 = arith.constant 0 : index
    %get3A_255 = vector.load %arg4[%get3A_252, %get3A_253, %get3A_254] : memref<4x256x128xf32, #tpu.memory_space<vmem>>, vector<1x256x128xf32>
    %get3A_256 = vector.shape_cast %get3A_255 : vector<1x256x128xf32> to vector<256x128xf32>
    %dot_general3A_257 = arith.constant dense<0.000000e+00> : vector<2816x128xf32>
    %dot_general3A_258 = tpu.matmul %reshape3A_243, %get3A_256, %dot_general3A_257 {dimension_numbers = #tpu.dot_dimension_numbers<[1], [0], [0], [1], [0, 0, 1, 1], [], []>, transpose_lhs_hint = false} : vector<2816x256xf32>, vector<256x128xf32>, vector<2816x128xf32> -> vector<2816x128xf32>
    %reshape3A_259 = vector.shape_cast %dot_general3A_258 : vector<2816x128xf32> to vector<16x11x16x128xf32>
    %get3A_260 = arith.constant 2 : index
    %get3A_261 = arith.constant 0 : index
    %get3A_262 = arith.constant 0 : index
    %get3A_263 = vector.load %arg4[%get3A_260, %get3A_261, %get3A_262] : memref<4x256x128xf32, #tpu.memory_space<vmem>>, vector<1x256x128xf32>
    %get3A_264 = vector.shape_cast %get3A_263 : vector<1x256x128xf32> to vector<256x128xf32>
    %dot_general3A_265 = arith.constant dense<0.000000e+00> : vector<2816x128xf32>
    %dot_general3A_266 = tpu.matmul %reshape3A_243, %get3A_264, %dot_general3A_265 {dimension_numbers = #tpu.dot_dimension_numbers<[1], [0], [0], [1], [0, 0, 1, 1], [], []>, transpose_lhs_hint = false} : vector<2816x256xf32>, vector<256x128xf32>, vector<2816x128xf32> -> vector<2816x128xf32>
    %reshape3A_267 = vector.shape_cast %dot_general3A_266 : vector<2816x128xf32> to vector<16x11x16x128xf32>
    %get3A_268 = arith.constant 3 : index
    %get3A_269 = arith.constant 0 : index
    %get3A_270 = arith.constant 0 : index
    %get3A_271 = vector.load %arg4[%get3A_268, %get3A_269, %get3A_270] : memref<4x256x128xf32, #tpu.memory_space<vmem>>, vector<1x256x128xf32>
    %get3A_272 = vector.shape_cast %get3A_271 : vector<1x256x128xf32> to vector<256x128xf32>
    %dot_general3A_273 = arith.constant dense<0.000000e+00> : vector<2816x128xf32>
    %dot_general3A_274 = tpu.matmul %reshape3A_243, %get3A_272, %dot_general3A_273 {dimension_numbers = #tpu.dot_dimension_numbers<[1], [0], [0], [1], [0, 0, 1, 1], [], []>, transpose_lhs_hint = false} : vector<2816x256xf32>, vector<256x128xf32>, vector<2816x128xf32> -> vector<2816x128xf32>
    %reshape3A_275 = vector.shape_cast %dot_general3A_274 : vector<2816x128xf32> to vector<16x11x16x128xf32>
    %slice3A_276 = vector.extract_strided_slice %reshape3A_251 {offsets = [0, 0, 0, 0], sizes = [16, 10, 10, 128], strides = [1, 1, 1, 1]} : vector<16x11x16x128xf32> to vector<16x10x10x128xf32>
    %slice3A_277 = vector.extract_strided_slice %reshape3A_259 {offsets = [0, 0, 1, 0], sizes = [16, 10, 10, 128], strides = [1, 1, 1, 1]} : vector<16x11x16x128xf32> to vector<16x10x10x128xf32>
    %add3A_278 = arith.addf %slice3A_276, %slice3A_277 : vector<16x10x10x128xf32>
    %slice3A_279 = vector.extract_strided_slice %reshape3A_267 {offsets = [0, 1, 0, 0], sizes = [16, 10, 10, 128], strides = [1, 1, 1, 1]} : vector<16x11x16x128xf32> to vector<16x10x10x128xf32>
    %add3A_280 = arith.addf %add3A_278, %slice3A_279 : vector<16x10x10x128xf32>
    %slice3A_281 = vector.extract_strided_slice %reshape3A_275 {offsets = [0, 1, 1, 0], sizes = [16, 10, 10, 128], strides = [1, 1, 1, 1]} : vector<16x11x16x128xf32> to vector<16x10x10x128xf32>
    %add3A_282 = arith.addf %add3A_280, %slice3A_281 : vector<16x10x10x128xf32>
    %get3A_283 = arith.constant 0 : index
    %get3A_284 = arith.constant 0 : index
    %get3A_285 = vector.load %arg7[%get3A_283, %get3A_284] : memref<1x128xf32, #tpu.memory_space<vmem>>, vector<1x128xf32>
    %reshape3A_286 = vector.shape_cast %get3A_285 : vector<1x128xf32> to vector<1x1x1x128xf32>
    %add3A_287 = vector.broadcast %reshape3A_286 : vector<1x1x1x128xf32> to vector<16x10x10x128xf32>
    %add3A_288 = arith.addf %add3A_282, %add3A_287 : vector<16x10x10x128xf32>
    %max3A_289 = arith.constant 0.000000e+00 : f32
    %max3A_290 = vector.broadcast %max3A_289 : f32 to vector<16x10x10x128xf32>
    %max3A_291 = arith.maximumf %add3A_288, %max3A_290 : vector<16x10x10x128xf32>
    %swap3A = arith.constant 0 : index
    %swap3A_292 = arith.constant 0 : index
    %swap3A_293 = arith.constant 0 : index
    %swap3A_294 = arith.constant 0 : index
    %swap3A_295 = vector.load %arg8[%swap3A, %swap3A_292, %swap3A_293, %swap3A_294] : memref<16x10x10x128xf32, #tpu.memory_space<vmem>>, vector<16x10x10x128xf32>
    tpu.vector_store %arg8[%swap3A, %swap3A_292, %swap3A_293, %swap3A_294], %max3A_291 {strides = array<i32>} : memref<16x10x10x128xf32, #tpu.memory_space<vmem>>, vector<16x10x10x128xf32>,
    return
  }
  func.func @transform_0(%arg0: i32) -> (i32, i32, i32, i32) {
    %c0_i32 = arith.constant 0 : i32
    %c0_i32_0 = arith.constant 0 : i32
    %c0_i32_1 = arith.constant 0 : i32
    %c0_i32_2 = arith.constant 0 : i32
    return %arg0, %c0_i32, %c0_i32_0, %c0_i32_1 : i32, i32, i32, i32
  }
  func.func @transform_1(%arg0: i32) -> (i32, i32, i32) {
    %c0_i32 = arith.constant 0 : i32
    %c0_i32_0 = arith.constant 0 : i32
    %c0_i32_1 = arith.constant 0 : i32
    %c0_i32_2 = arith.constant 0 : i32
    return %c0_i32, %c0_i32_0, %c0_i32_1 : i32, i32, i32
  }
  func.func @transform_2(%arg0: i32) -> (i32, i32, i32) {
    %c0_i32 = arith.constant 0 : i32
    %c0_i32_0 = arith.constant 0 : i32
    %c0_i32_1 = arith.constant 0 : i32
    %c0_i32_2 = arith.constant 0 : i32
    return %c0_i32, %c0_i32_0, %c0_i32_1 : i32, i32, i32
  }
  func.func @transform_3(%arg0: i32) -> (i32, i32, i32) {
    %c0_i32 = arith.constant 0 : i32
    %c0_i32_0 = arith.constant 0 : i32
    %c0_i32_1 = arith.constant 0 : i32
    %c0_i32_2 = arith.constant 0 : i32
    return %c0_i32, %c0_i32_0, %c0_i32_1 : i32, i32, i32
  }
  func.func @transform_4(%arg0: i32) -> (i32, i32) {
    %c0_i32 = arith.constant 0 : i32
    %c0_i32_0 = arith.constant 0 : i32
    %c0_i32_1 = arith.constant 0 : i32
    return %c0_i32, %c0_i32_0 : i32, i32
  }
  func.func @transform_5(%arg0: i32) -> (i32, i32) {
    %c0_i32 = arith.constant 0 : i32
    %c0_i32_0 = arith.constant 0 : i32
    %c0_i32_1 = arith.constant 0 : i32
    return %c0_i32, %c0_i32_0 : i32, i32
  }
  func.func @transform_6(%arg0: i32) -> (i32, i32) {
    %c0_i32 = arith.constant 0 : i32
    %c0_i32_0 = arith.constant 0 : i32
    %c0_i32_1 = arith.constant 0 : i32
    return %c0_i32, %c0_i32_0 : i32, i32
  }
  func.func @transform_7(%arg0: i32) -> (i32, i32, i32, i32) {
    %c0_i32 = arith.constant 0 : i32
    %c0_i32_0 = arith.constant 0 : i32
    %c0_i32_1 = arith.constant 0 : i32
    %c0_i32_2 = arith.constant 0 : i32
    return %arg0, %c0_i32, %c0_i32_0, %c0_i32_1 : i32, i32, i32, i32
  }
}

module attributes {stable_mosaic.version = 14 : i64} {
  func.func @_tail_body(%arg0: memref<256x12800xf32, #tpu.memory_space<vmem>>, %arg1: memref<12800x50xf32, #tpu.memory_space<vmem>>, %arg2: memref<1x50xf32, #tpu.memory_space<vmem>>, %arg3: memref<1x50xf32, #tpu.memory_space<vmem>>, %arg4: memref<1x50xf32, #tpu.memory_space<vmem>>, %arg5: memref<512x50xf32, #tpu.memory_space<vmem>>, %arg6: memref<512x256xf32, #tpu.memory_space<vmem>>) attributes {dimension_semantics = [], scalar_prefetch = 0 : i64, scratch_operands = 0 : i64, tpu.core_type = #tpu.core_type<tc>} {
    %get3A = arith.constant 0 : index
    %get3A_0 = arith.constant 0 : index
    %get3A_1 = vector.load %arg0[%get3A, %get3A_0] : memref<256x12800xf32, #tpu.memory_space<vmem>>, vector<256x12800xf32>
    %get3A_2 = arith.constant 0 : index
    %get3A_3 = arith.constant 0 : index
    %get3A_4 = vector.load %arg1[%get3A_2, %get3A_3] : memref<12800x50xf32, #tpu.memory_space<vmem>>, vector<12800x50xf32>
    %dot_general3A = arith.constant dense<0.000000e+00> : vector<256x50xf32>
    %dot_general3A_5 = tpu.matmul %get3A_1, %get3A_4, %dot_general3A {dimension_numbers = #tpu.dot_dimension_numbers<[1], [0], [0], [1], [0, 0, 1, 1], [], []>, transpose_lhs_hint = false} : vector<256x12800xf32>, vector<12800x50xf32>, vector<256x50xf32> -> vector<256x50xf32>
    %get3A_6 = arith.constant 0 : index
    %get3A_7 = arith.constant 0 : index
    %get3A_8 = vector.load %arg2[%get3A_6, %get3A_7] : memref<1x50xf32, #tpu.memory_space<vmem>>, vector<1x50xf32>
    %add3A = vector.broadcast %get3A_8 : vector<1x50xf32> to vector<256x50xf32>
    %add3A_9 = arith.addf %dot_general3A_5, %add3A : vector<256x50xf32>
    %reduce_sum3A = arith.constant dense<0.000000e+00> : vector<256xf32>
    %reduce_sum3A_10 = vector.multi_reduction <add>, %add3A_9, %reduce_sum3A [1] : vector<256x50xf32> to vector<256xf32>
    %broadcast_in_dim3A = vector.shape_cast %reduce_sum3A_10 : vector<256xf32> to vector<256x1xf32>
    %div3A = arith.constant 5.000000e+01 : f32
    %div3A_11 = vector.broadcast %div3A : f32 to vector<256x1xf32>
    %div3A_12 = arith.divf %broadcast_in_dim3A, %div3A_11 : vector<256x1xf32>
    %sub3A = vector.broadcast %div3A_12 : vector<256x1xf32> to vector<256x50xf32>
    %sub3A_13 = arith.subf %add3A_9, %sub3A : vector<256x50xf32>
    %sub3A_14 = vector.broadcast %div3A_12 : vector<256x1xf32> to vector<256x50xf32>
    %sub3A_15 = arith.subf %add3A_9, %sub3A_14 : vector<256x50xf32>
    %mul3A = arith.mulf %sub3A_13, %sub3A_15 : vector<256x50xf32>
    %reduce_sum3A_16 = arith.constant dense<0.000000e+00> : vector<256xf32>
    %reduce_sum3A_17 = vector.multi_reduction <add>, %mul3A, %reduce_sum3A_16 [1] : vector<256x50xf32> to vector<256xf32>
    %broadcast_in_dim3A_18 = vector.shape_cast %reduce_sum3A_17 : vector<256xf32> to vector<256x1xf32>
    %div3A_19 = arith.constant 5.000000e+01 : f32
    %div3A_20 = vector.broadcast %div3A_19 : f32 to vector<256x1xf32>
    %div3A_21 = arith.divf %broadcast_in_dim3A_18, %div3A_20 : vector<256x1xf32>
    %sub3A_22 = vector.broadcast %div3A_12 : vector<256x1xf32> to vector<256x50xf32>
    %sub3A_23 = arith.subf %add3A_9, %sub3A_22 : vector<256x50xf32>
    %add3A_24 = arith.constant 9.99999974E-6 : f32
    %add3A_25 = vector.broadcast %add3A_24 : f32 to vector<256x1xf32>
    %add3A_26 = arith.addf %div3A_21, %add3A_25 : vector<256x1xf32>
    %rsqrt3A = math.rsqrt %add3A_26 : vector<256x1xf32>
    %mul3A_27 = vector.broadcast %rsqrt3A : vector<256x1xf32> to vector<256x50xf32>
    %mul3A_28 = arith.mulf %sub3A_23, %mul3A_27 : vector<256x50xf32>
    %get3A_29 = arith.constant 0 : index
    %get3A_30 = arith.constant 0 : index
    %get3A_31 = vector.load %arg3[%get3A_29, %get3A_30] : memref<1x50xf32, #tpu.memory_space<vmem>>, vector<1x50xf32>
    %mul3A_32 = vector.broadcast %get3A_31 : vector<1x50xf32> to vector<256x50xf32>
    %mul3A_33 = arith.mulf %mul3A_28, %mul3A_32 : vector<256x50xf32>
    %get3A_34 = arith.constant 0 : index
    %get3A_35 = arith.constant 0 : index
    %get3A_36 = vector.load %arg4[%get3A_34, %get3A_35] : memref<1x50xf32, #tpu.memory_space<vmem>>, vector<1x50xf32>
    %add3A_37 = vector.broadcast %get3A_36 : vector<1x50xf32> to vector<256x50xf32>
    %add3A_38 = arith.addf %mul3A_33, %add3A_37 : vector<256x50xf32>
    %tanh3A = math.tanh %add3A_38 : vector<256x50xf32>
    %get3A_39 = arith.constant 0 : index
    %get3A_40 = arith.constant 0 : index
    %get3A_41 = vector.load %arg5[%get3A_39, %get3A_40] : memref<512x50xf32, #tpu.memory_space<vmem>>, vector<512x50xf32>
    %mul3A_42 = arith.mulf %tanh3A, %tanh3A : vector<256x50xf32>
    %broadcast_in_dim3A_43 = arith.constant 1.000000e+00 : f32
    %broadcast_in_dim3A_44 = vector.broadcast %broadcast_in_dim3A_43 : f32 to vector<1x50xf32>
    %dot_general3A_45 = arith.constant dense<0.000000e+00> : vector<1x256xf32>
    %dot_general3A_46 = tpu.matmul %broadcast_in_dim3A_44, %mul3A_42, %dot_general3A_45 {dimension_numbers = #tpu.dot_dimension_numbers<[1], [1], [0], [0], [0, 0, 1, 0], [], []>, transpose_lhs_hint = false} : vector<1x50xf32>, vector<256x50xf32>, vector<1x256xf32> -> vector<1x256xf32>
    %mul3A_47 = arith.mulf %get3A_41, %get3A_41 : vector<512x50xf32>
    %reduce_sum3A_48 = arith.constant dense<0.000000e+00> : vector<512xf32>
    %reduce_sum3A_49 = vector.multi_reduction <add>, %mul3A_47, %reduce_sum3A_48 [1] : vector<512x50xf32> to vector<512xf32>
    %broadcast_in_dim3A_50 = vector.shape_cast %reduce_sum3A_49 : vector<512xf32> to vector<512x1xf32>
    %add3A_51 = vector.broadcast %broadcast_in_dim3A_50 : vector<512x1xf32> to vector<512x256xf32>
    %add3A_52 = vector.broadcast %dot_general3A_46 : vector<1x256xf32> to vector<512x256xf32>
    %add3A_53 = arith.addf %add3A_51, %add3A_52 : vector<512x256xf32>
    %dot_general3A_54 = arith.constant dense<0.000000e+00> : vector<512x256xf32>
    %dot_general3A_55 = tpu.matmul %get3A_41, %tanh3A, %dot_general3A_54 {dimension_numbers = #tpu.dot_dimension_numbers<[1], [1], [0], [0], [0, 0, 1, 0], [], []>, transpose_lhs_hint = false} : vector<512x50xf32>, vector<256x50xf32>, vector<512x256xf32> -> vector<512x256xf32>
    %mul3A_56 = arith.constant 2.000000e+00 : f32
    %mul3A_57 = vector.broadcast %mul3A_56 : f32 to vector<512x256xf32>
    %mul3A_58 = arith.mulf %mul3A_57, %dot_general3A_55 : vector<512x256xf32>
    %sub3A_59 = arith.subf %add3A_53, %mul3A_58 : vector<512x256xf32>
    %max3A = arith.constant 0.000000e+00 : f32
    %max3A_60 = vector.broadcast %max3A : f32 to vector<512x256xf32>
    %max3A_61 = arith.maximumf %sub3A_59, %max3A_60 : vector<512x256xf32>
    %sqrt3A = math.sqrt %max3A_61 : vector<512x256xf32>
    %swap3A = arith.constant 0 : index
    %swap3A_62 = arith.constant 0 : index
    %swap3A_63 = vector.load %arg6[%swap3A, %swap3A_62] : memref<512x256xf32, #tpu.memory_space<vmem>>, vector<512x256xf32>
    tpu.vector_store %arg6[%swap3A, %swap3A_62], %sqrt3A {strides = array<i32>} : memref<512x256xf32, #tpu.memory_space<vmem>>, vector<512x256xf32>,
    return
  }
}

module attributes {stable_mosaic.version = 14 : i64} {
  func.func @_ac_body(%arg0: i32, %arg1: memref<256x3200xf32, #tpu.memory_space<vmem>>, %arg2: memref<512x3200xf32, #tpu.memory_space<vmem>>, %arg3: memref<1x512xf32, #tpu.memory_space<vmem>>, %arg4: memref<512x8xf32, #tpu.memory_space<vmem>>, %arg5: memref<1x8xf32, #tpu.memory_space<vmem>>, %arg6: memref<512x1xf32, #tpu.memory_space<vmem>>, %arg7: memref<1x1xf32, #tpu.memory_space<vmem>>, %arg8: memref<256x8xf32, #tpu.memory_space<vmem>>, %arg9: memref<256x8xf32, #tpu.memory_space<vmem>>, %arg10: memref<256x1xf32, #tpu.memory_space<vmem>>, %arg11: memref<256x512xf32, #tpu.memory_space<vmem>>) attributes {dimension_semantics = [#tpu.dimension_semantics<arbitrary>], iteration_bounds = array<i64: 8>, scalar_prefetch = 0 : i64, scratch_operands = 1 : i64, tpu.core_type = #tpu.core_type<tc>, window_params = [{transform_indices = @transform_0, window_bounds = array<i64: 256, 3200>}, {transform_indices = @transform_1, window_bounds = array<i64: 512, 3200>}, {pipeline_mode = #tpu.pipeline_mode<synchronous>, transform_indices = @transform_2, window_bounds = array<i64: 1, 512>}, {pipeline_mode = #tpu.pipeline_mode<synchronous>, transform_indices = @transform_3, window_bounds = array<i64: 512, 8>}, {pipeline_mode = #tpu.pipeline_mode<synchronous>, transform_indices = @transform_4, window_bounds = array<i64: 1, 8>}, {pipeline_mode = #tpu.pipeline_mode<synchronous>, transform_indices = @transform_5, window_bounds = array<i64: 512, 1>}, {pipeline_mode = #tpu.pipeline_mode<synchronous>, transform_indices = @transform_6, window_bounds = array<i64: 1, 1>}, {pipeline_mode = #tpu.pipeline_mode<synchronous>, transform_indices = @transform_7, window_bounds = array<i64: 256, 8>}, {pipeline_mode = #tpu.pipeline_mode<synchronous>, transform_indices = @transform_8, window_bounds = array<i64: 256, 8>}, {pipeline_mode = #tpu.pipeline_mode<synchronous>, transform_indices = @transform_9, window_bounds = array<i64: 256, 1>}]} {
    %eq3A = arith.constant 0 : i32
    %eq3A_0 = arith.cmpi eq, %arg0, %eq3A : i32
    %convert_element_type3A = arith.extui %eq3A_0 : i1 to i32
    %cond3A = arith.constant 0 : i32
    %cond3A_1 = arith.cmpi ne, %convert_element_type3A, %cond3A : i32
    scf.if %cond3A_1 {
      %broadcast_in_dim3A = arith.constant 0.000000e+00 : f32
      %broadcast_in_dim3A_18 = vector.broadcast %broadcast_in_dim3A : f32 to vector<256x512xf32>
      %swap3A_19 = arith.constant 0 : index
      %swap3A_20 = arith.constant 0 : index
      %swap3A_21 = vector.load %arg11[%swap3A_19, %swap3A_20] : memref<256x512xf32, #tpu.memory_space<vmem>>, vector<256x512xf32>
      tpu.vector_store %arg11[%swap3A_19, %swap3A_20], %broadcast_in_dim3A_18 {strides = array<i32>} : memref<256x512xf32, #tpu.memory_space<vmem>>, vector<256x512xf32>,
    } else {
    }
    %get3A = arith.constant 0 : index
    %get3A_2 = arith.constant 0 : index
    %get3A_3 = vector.load %arg11[%get3A, %get3A_2] : memref<256x512xf32, #tpu.memory_space<vmem>>, vector<256x512xf32>
    %get3A_4 = arith.constant 0 : index
    %get3A_5 = arith.constant 0 : index
    %get3A_6 = vector.load %arg1[%get3A_4, %get3A_5] : memref<256x3200xf32, #tpu.memory_space<vmem>>, vector<256x3200xf32>
    %get3A_7 = arith.constant 0 : index
    %get3A_8 = arith.constant 0 : index
    %get3A_9 = vector.load %arg2[%get3A_7, %get3A_8] : memref<512x3200xf32, #tpu.memory_space<vmem>>, vector<512x3200xf32>
    %dot_general3A = arith.constant dense<0.000000e+00> : vector<256x512xf32>
    %dot_general3A_10 = tpu.matmul %get3A_6, %get3A_9, %dot_general3A {dimension_numbers = #tpu.dot_dimension_numbers<[1], [1], [0], [0], [0, 0, 1, 0], [], []>, transpose_lhs_hint = false} : vector<256x3200xf32>, vector<512x3200xf32>, vector<256x512xf32> -> vector<256x512xf32>
    %add3A = arith.addf %get3A_3, %dot_general3A_10 : vector<256x512xf32>
    %swap3A = arith.constant 0 : index
    %swap3A_11 = arith.constant 0 : index
    %swap3A_12 = vector.load %arg11[%swap3A, %swap3A_11] : memref<256x512xf32, #tpu.memory_space<vmem>>, vector<256x512xf32>
    tpu.vector_store %arg11[%swap3A, %swap3A_11], %add3A {strides = array<i32>} : memref<256x512xf32, #tpu.memory_space<vmem>>, vector<256x512xf32>,
    %eq3A_13 = arith.constant 7 : i32
    %eq3A_14 = arith.cmpi eq, %arg0, %eq3A_13 : i32
    %convert_element_type3A_15 = arith.extui %eq3A_14 : i1 to i32
    %cond3A_16 = arith.constant 0 : i32
    %cond3A_17 = arith.cmpi ne, %convert_element_type3A_15, %cond3A_16 : i32
    scf.if %cond3A_17 {
      %get3A_18 = arith.constant 0 : index
      %get3A_19 = arith.constant 0 : index
      %get3A_20 = vector.load %arg11[%get3A_18, %get3A_19] : memref<256x512xf32, #tpu.memory_space<vmem>>, vector<256x512xf32>
      %get3A_21 = arith.constant 0 : index
      %get3A_22 = arith.constant 0 : index
      %get3A_23 = vector.load %arg3[%get3A_21, %get3A_22] : memref<1x512xf32, #tpu.memory_space<vmem>>, vector<1x512xf32>
      %add3A_24 = vector.broadcast %get3A_23 : vector<1x512xf32> to vector<256x512xf32>
      %add3A_25 = arith.addf %get3A_20, %add3A_24 : vector<256x512xf32>
      %max3A = arith.constant 0.000000e+00 : f32
      %max3A_26 = vector.broadcast %max3A : f32 to vector<256x512xf32>
      %max3A_27 = arith.maximumf %add3A_25, %max3A_26 : vector<256x512xf32>
      %get3A_28 = arith.constant 0 : index
      %get3A_29 = arith.constant 0 : index
      %get3A_30 = vector.load %arg4[%get3A_28, %get3A_29] : memref<512x8xf32, #tpu.memory_space<vmem>>, vector<512x8xf32>
      %dot_general3A_31 = arith.constant dense<0.000000e+00> : vector<256x8xf32>
      %dot_general3A_32 = tpu.matmul %max3A_27, %get3A_30, %dot_general3A_31 {dimension_numbers = #tpu.dot_dimension_numbers<[1], [0], [0], [1], [0, 0, 1, 1], [], []>, transpose_lhs_hint = false} : vector<256x512xf32>, vector<512x8xf32>, vector<256x8xf32> -> vector<256x8xf32>
      %get3A_33 = arith.constant 0 : index
      %get3A_34 = arith.constant 0 : index
      %get3A_35 = vector.load %arg5[%get3A_33, %get3A_34] : memref<1x8xf32, #tpu.memory_space<vmem>>, vector<1x8xf32>
      %add3A_36 = vector.broadcast %get3A_35 : vector<1x8xf32> to vector<256x8xf32>
      %add3A_37 = arith.addf %dot_general3A_32, %add3A_36 : vector<256x8xf32>
      %reduce_max3A = arith.constant dense<0xFF800000> : vector<256xf32>
      %reduce_max3A_38 = vector.multi_reduction <maximumf>, %add3A_37, %reduce_max3A [1] : vector<256x8xf32> to vector<256xf32>
      %broadcast_in_dim3A = vector.shape_cast %reduce_max3A_38 : vector<256xf32> to vector<256x1xf32>
      %sub3A = vector.broadcast %broadcast_in_dim3A : vector<256x1xf32> to vector<256x8xf32>
      %sub3A_39 = arith.subf %add3A_37, %sub3A : vector<256x8xf32>
      %exp3A = math.exp %sub3A_39 : vector<256x8xf32>
      %reduce_sum3A = arith.constant dense<0.000000e+00> : vector<256xf32>
      %reduce_sum3A_40 = vector.multi_reduction <add>, %exp3A, %reduce_sum3A [1] : vector<256x8xf32> to vector<256xf32>
      %broadcast_in_dim3A_41 = vector.shape_cast %reduce_sum3A_40 : vector<256xf32> to vector<256x1xf32>
      %div3A = vector.broadcast %broadcast_in_dim3A_41 : vector<256x1xf32> to vector<256x8xf32>
      %div3A_42 = arith.divf %exp3A, %div3A : vector<256x8xf32>
      %swap3A_43 = arith.constant 0 : index
      %swap3A_44 = arith.constant 0 : index
      %swap3A_45 = vector.load %arg8[%swap3A_43, %swap3A_44] : memref<256x8xf32, #tpu.memory_space<vmem>>, vector<256x8xf32>
      tpu.vector_store %arg8[%swap3A_43, %swap3A_44], %div3A_42 {strides = array<i32>} : memref<256x8xf32, #tpu.memory_space<vmem>>, vector<256x8xf32>,
      %sub3A_46 = vector.broadcast %broadcast_in_dim3A : vector<256x1xf32> to vector<256x8xf32>
      %sub3A_47 = arith.subf %add3A_37, %sub3A_46 : vector<256x8xf32>
      %log3A = math.log %broadcast_in_dim3A_41 : vector<256x1xf32>
      %sub3A_48 = vector.broadcast %log3A : vector<256x1xf32> to vector<256x8xf32>
      %sub3A_49 = arith.subf %sub3A_47, %sub3A_48 : vector<256x8xf32>
      %swap3A_50 = arith.constant 0 : index
      %swap3A_51 = arith.constant 0 : index
      %swap3A_52 = vector.load %arg9[%swap3A_50, %swap3A_51] : memref<256x8xf32, #tpu.memory_space<vmem>>, vector<256x8xf32>
      tpu.vector_store %arg9[%swap3A_50, %swap3A_51], %sub3A_49 {strides = array<i32>} : memref<256x8xf32, #tpu.memory_space<vmem>>, vector<256x8xf32>,
      %get3A_53 = arith.constant 0 : index
      %get3A_54 = arith.constant 0 : index
      %get3A_55 = vector.load %arg6[%get3A_53, %get3A_54] : memref<512x1xf32, #tpu.memory_space<vmem>>, vector<512x1xf32>
      %dot_general3A_56 = arith.constant dense<0.000000e+00> : vector<256x1xf32>
      %dot_general3A_57 = tpu.matmul %max3A_27, %get3A_55, %dot_general3A_56 {dimension_numbers = #tpu.dot_dimension_numbers<[1], [0], [0], [1], [0, 0, 1, 1], [], []>, transpose_lhs_hint = false} : vector<256x512xf32>, vector<512x1xf32>, vector<256x1xf32> -> vector<256x1xf32>
      %get3A_58 = arith.constant 0 : index
      %get3A_59 = arith.constant 0 : index
      %get3A_60 = vector.load %arg7[%get3A_58, %get3A_59] : memref<1x1xf32, #tpu.memory_space<vmem>>, vector<1x1xf32>
      %add3A_61 = vector.broadcast %get3A_60 : vector<1x1xf32> to vector<256x1xf32>
      %add3A_62 = arith.addf %dot_general3A_57, %add3A_61 : vector<256x1xf32>
      %swap3A_63 = arith.constant 0 : index
      %swap3A_64 = arith.constant 0 : index
      %swap3A_65 = vector.load %arg10[%swap3A_63, %swap3A_64] : memref<256x1xf32, #tpu.memory_space<vmem>>, vector<256x1xf32>
      tpu.vector_store %arg10[%swap3A_63, %swap3A_64], %add3A_62 {strides = array<i32>} : memref<256x1xf32, #tpu.memory_space<vmem>>, vector<256x1xf32>,
    } else {
    }
    return
  }
  func.func @transform_0(%arg0: i32) -> (i32, i32) {
    %c0_i32 = arith.constant 0 : i32
    %c0_i32_0 = arith.constant 0 : i32
    return %c0_i32, %arg0 : i32, i32
  }
  func.func @transform_1(%arg0: i32) -> (i32, i32) {
    %c0_i32 = arith.constant 0 : i32
    %c0_i32_0 = arith.constant 0 : i32
    return %c0_i32, %arg0 : i32, i32
  }
  func.func @transform_2(%arg0: i32) -> (i32, i32) {
    %c0_i32 = arith.constant 0 : i32
    %c0_i32_0 = arith.constant 0 : i32
    %c0_i32_1 = arith.constant 0 : i32
    return %c0_i32, %c0_i32_0 : i32, i32
  }
  func.func @transform_3(%arg0: i32) -> (i32, i32) {
    %c0_i32 = arith.constant 0 : i32
    %c0_i32_0 = arith.constant 0 : i32
    %c0_i32_1 = arith.constant 0 : i32
    return %c0_i32, %c0_i32_0 : i32, i32
  }
  func.func @transform_4(%arg0: i32) -> (i32, i32) {
    %c0_i32 = arith.constant 0 : i32
    %c0_i32_0 = arith.constant 0 : i32
    %c0_i32_1 = arith.constant 0 : i32
    return %c0_i32, %c0_i32_0 : i32, i32
  }
  func.func @transform_5(%arg0: i32) -> (i32, i32) {
    %c0_i32 = arith.constant 0 : i32
    %c0_i32_0 = arith.constant 0 : i32
    %c0_i32_1 = arith.constant 0 : i32
    return %c0_i32, %c0_i32_0 : i32, i32
  }
  func.func @transform_6(%arg0: i32) -> (i32, i32) {
    %c0_i32 = arith.constant 0 : i32
    %c0_i32_0 = arith.constant 0 : i32
    %c0_i32_1 = arith.constant 0 : i32
    return %c0_i32, %c0_i32_0 : i32, i32
  }
  func.func @transform_7(%arg0: i32) -> (i32, i32) {
    %c0_i32 = arith.constant 0 : i32
    %c0_i32_0 = arith.constant 0 : i32
    %c0_i32_1 = arith.constant 0 : i32
    return %c0_i32, %c0_i32_0 : i32, i32
  }
  func.func @transform_8(%arg0: i32) -> (i32, i32) {
    %c0_i32 = arith.constant 0 : i32
    %c0_i32_0 = arith.constant 0 : i32
    %c0_i32_1 = arith.constant 0 : i32
    return %c0_i32, %c0_i32_0 : i32, i32
  }
  func.func @transform_9(%arg0: i32) -> (i32, i32) {
    %c0_i32 = arith.constant 0 : i32
    %c0_i32_0 = arith.constant 0 : i32
    %c0_i32_1 = arith.constant 0 : i32
    return %c0_i32, %c0_i32_0 : i32, i32
  }
}

module attributes {stable_mosaic.version = 14 : i64} {
  func.func @_rew_body(%arg0: memref<2x128xf32, #tpu.memory_space<vmem>>, %arg1: memref<2x128xf32, #tpu.memory_space<vmem>>) attributes {dimension_semantics = [], scalar_prefetch = 0 : i64, scratch_operands = 0 : i64, tpu.core_type = #tpu.core_type<tc>} {
    %get3A = arith.constant 0 : index
    %get3A_0 = arith.constant 0 : index
    %get3A_1 = vector.load %arg0[%get3A, %get3A_0] : memref<2x128xf32, #tpu.memory_space<vmem>>, vector<2x128xf32>
    %add3A = arith.constant 9.99999993E-9 : f32
    %add3A_2 = vector.broadcast %add3A : f32 to vector<2x128xf32>
    %add3A_3 = arith.addf %get3A_1, %add3A_2 : vector<2x128xf32>
    %log3A = math.log %add3A_3 : vector<2x128xf32>
    %neg3A = arith.constant 0.000000e+00 : f32
    %neg3A_4 = vector.broadcast %neg3A : f32 to vector<2x128xf32>
    %neg3A_5 = arith.subf %neg3A_4, %log3A : vector<2x128xf32>
    %swap3A = arith.constant 0 : index
    %swap3A_6 = arith.constant 0 : index
    %swap3A_7 = vector.load %arg1[%swap3A, %swap3A_6] : memref<2x128xf32, #tpu.memory_space<vmem>>, vector<2x128xf32>
    tpu.vector_store %arg1[%swap3A, %swap3A_6], %neg3A_5 {strides = array<i32>} : memref<2x128xf32, #tpu.memory_space<vmem>>, vector<2x128xf32>,
    return
  }
}

</mosaic_0001>

<sc_bundles>
// kernel: kernel.7.cloned.1.call-start
scs
__scs_entry_jumppad:
0x0: {  	(pc) =	sbr.rel $0x88, $3  }
0x1: {  	(tag) =	ssettag $0x0;
	lr =	simm.s32 $0x1  }
0x2: {  	[smem:$0x3F8F] =	sst lr;
	_ =	strace $0xD0000000  }
0x3: {  	_ = 	snop  }
0x4: {  	_ = 	snop  }
0x5: {  	_ = 	snop  }
0x6: {  	_ = 	snop  }
0x7: {  	_ = 	snop  }
__scs_overlays_trampoline_lowered:
0x8: {  	[smem:$0x3F9E] =	sst s0  }
0x9: {  	[smem:$0x3F9F] =	sst s1  }
0xa: {  	[smem:$0x3FA0] =	sst s2  }
0xb: {  	[smem:$0x3FA1] =	sst s3  }
0xc: {  	[smem:$0x3FA2] =	sst s4  }
0xd: {  	[smem:$0x3FA3] =	sst s5  }
0xe: {  	[smem:$0x3FA4] =	sst s6  }
0xf: {  	[smem:$0x3FA5] =	sst s7  }
0x10: {  	[smem:$0x3FA6] =	sst s8  }
0x11: {  	[smem:$0x3FA7] =	sst s9;
	s0 =	simm.s32 @!p0 $0x0  }
0x12: {  	s1 =	sld [smem:$0x3F8D];
	s0 =	simm.s32 @p0 $0x1  }
0x13: {  	[smem:$0x3FA8] =	sst s0;
	s0 =	simm.s32 @!p1 $0x0  }
0x14: {  	s2 =	sld [smem:$0x3F8C];
	s0 =	simm.s32 @p1 $0x1  }
0x15: {  	[smem:$0x3FA9] =	sst s0;
	s0 =	simm.s32 @!p2 $0x0  }
0x16: {  	s3 =	sld [smem:$0x3FDB];
	s0 =	simm.s32 @p2 $0x1  }
0x17: {  	s4 =	simm.s32 $0x1BF5;
	[smem:$0x3FAB] =	sst s0  }
0x18: {  	s0 =	sld [smem:$0x3F8E];
	_ =	swait.ge [sflag:s4], $0x0  }
0x19: {  	s7 =	sld [smem:$0x3F8F]  }
0x1a: {  	s8 =	sadd.s32 $0xFFFFE003, lr  }
0x1b: {  	s9 =	sadd.s32 $0xFFFFFEF7, lr;
	s5 =	simm.s32 $0xFFFFFFFF;
	p2 =	slt.u32 s8, $0xFFFFF086  }
0x1c: {  	p1 =	slt.u32 s9, $0xF7A;
	s5 =	simm.s32 @!p2 $0x0  }
0x1d: {  	s5 =	simm.s32 @p1 $0x1;
	p0 =	seq.s32 s7, s2  }
0x1e: {  	s7 =	smul.u32 @!p0 $0xF7A, s2;
	p2 =	seq.s32 @!p0 s5, $0x0  }
0x1f: {  	s9 =	smul.u32 $0xF7A, s1;
	s8 =	simm.s32 @!p0 $0x1BF5;
	p2 =	por !p2, p0  }
0x20: {  	[sflag:s8] =	ssyncset.s32 @!p0 $0xFFFFF086;
	s6 =	sadd.s32 @!p0 s3, s7;
	s7 =	simm.s32 @!p0 $0x108  }
0x21: {  	s3 =	sadd.s32 s3, s9;
	s6 =	sadd.s32 @!p0 $0x88, s6;
	s7 =	simm.s32 @p2 $0x1082  }
0x22: {  	[simem:s7], [sflag:s8] =	dma.local @!p0 [hbm:s6], $0xF7A  }
0x23: {  	s9 =	sor.u32 $0xD0000000, s2;
	s6 =	simm.s32 $0x108;
	_ =	swait.ge @!p0 [sflag:s8], $0x0  }
0x24: {  	s3 =	sadd.s32 $0x88, s3;
	s6 =	simm.s32 @!p1 $0x1082;
	[sflag:s4] =	ssyncset.s32 $0xFFFFF086  }
0x25: {  	[simem:s6], [sflag:s4] =	dma.local [hbm:s3], $0xF7A  }
0x26: {  	[smem:$0x3F8F] =	sst s1;
	(tag) =	ssettag s2;
	_ =	strace s9  }
0x27: {  	s1 =	sld [smem:$0x3F9F]  }
0x28: {  	s2 =	sld [smem:$0x3FA0]  }
0x29: {  	s4 =	sld [smem:$0x3FA2]  }
0x2a: {  	p0 =	seq.s32 s5, $0x0;
	s5 =	sld [smem:$0x3FA3]  }
0x2b: {  	s6 =	sld [smem:$0x3FA4]  }
0x2c: {  	s7 =	sld [smem:$0x3FA5]  }
0x2d: {  	s3 =	simm.s32 $0x108;
	s8 =	sld [smem:$0x3FA6]  }
0x2e: {  	s3 =	simm.s32 @!p0 $0x1082;
	s9 =	sld [smem:$0x3FA7]  }
0x2f: {  	lr =	sadd.s32 s0, s3;
	s0 =	sld [smem:$0x3F9E]  }
0x30: {  	s3 =	sld [smem:$0x3FA1]  }
0x31: {  	[smem:$0x3FAA] =	sst s10  }
0x32: {  	s10 =	sld [smem:$0x3FA8];
	_ =	sdelay $0x3  }
0x33: {  	p0 =	seq.s32 s10, $0x1;
	s10 =	sld [smem:$0x3FAA];
	_ =	sdelay $0x3  }
0x34: {  	[smem:$0x3FAA] =	sst s10  }
0x35: {  	s10 =	sld [smem:$0x3FA9];
	_ =	sdelay $0x3  }
0x36: {  	p1 =	seq.s32 s10, $0x1;
	s10 =	sld [smem:$0x3FAA];
	_ =	sdelay $0x3  }
0x37: {  	[smem:$0x3FAA] =	sst s10  }
0x38: {  	s10 =	sld [smem:$0x3FAB]  }
0x39: {  	_ = 	snop;
	(pc) =	sbr.ind lr, $3  }
0x3a: {  	_ = 	snop  }
0x3b: {  	_ = 	snop  }
0x3c: {  	p2 =	seq.s32 s10, $0x1;
	s10 =	sld [smem:$0x3FAA]  }
0x3d: {  	_ =	shalt  }
0x3e: {  	_ =	shalt  }
0x3f: {  	_ =	shalt  }
0x40: {  	_ =	shalt  }
0x41: {  	_ =	shalt  }
0x42: {  	_ =	shalt  }
0x43: {  	_ =	shalt  }
0x44: {  	_ =	shalt  }
0x45: {  	_ =	shalt  }
0x46: {  	_ =	shalt  }
0x47: {  	_ =	shalt  }
0x48: {  	_ =	shalt  }
0x49: {  	_ =	shalt  }
0x4a: {  	_ =	shalt  }
0x4b: {  	_ =	shalt  }
0x4c: {  	_ =	shalt  }
0x4d: {  	_ =	shalt  }
0x4e: {  	_ =	shalt  }
0x4f: {  	_ =	shalt  }
0x50: {  	_ =	shalt  }
0x51: {  	_ =	shalt  }
0x52: {  	_ =	shalt  }
0x53: {  	_ =	shalt  }
0x54: {  	_ =	shalt  }
0x55: {  	_ =	shalt  }
0x56: {  	_ =	shalt  }
0x57: {  	_ =	shalt  }
0x58: {  	_ =	shalt  }
0x59: {  	_ =	shalt  }
0x5a: {  	_ =	shalt  }
0x5b: {  	_ =	shalt  }
0x5c: {  	_ =	shalt  }
0x5d: {  	_ =	shalt  }
0x5e: {  	_ =	shalt  }
0x5f: {  	_ =	shalt  }
0x60: {  	_ =	shalt  }
0x61: {  	_ =	shalt  }
0x62: {  	_ =	shalt  }
0x63: {  	_ =	shalt  }
0x64: {  	_ =	shalt  }
0x65: {  	_ =	shalt  }
0x66: {  	_ =	shalt  }
0x67: {  	_ =	shalt  }
0x68: {  	_ =	shalt  }
0x69: {  	_ =	shalt  }
0x6a: {  	_ =	shalt  }
0x6b: {  	_ =	shalt  }
0x6c: {  	_ =	shalt  }
0x6d: {  	_ =	shalt  }
0x6e: {  	_ =	shalt  }
0x6f: {  	_ =	shalt  }
0x70: {  	_ =	shalt  }
0x71: {  	_ =	shalt  }
0x72: {  	_ =	shalt  }
0x73: {  	_ =	shalt  }
0x74: {  	_ =	shalt  }
0x75: {  	_ =	shalt  }
0x76: {  	_ =	shalt  }
0x77: {  	_ =	shalt  }
0x78: {  	_ =	shalt  }
0x79: {  	_ =	shalt  }
0x7a: {  	_ =	shalt  }
0x7b: {  	_ =	shalt  }
0x7c: {  	_ =	shalt  }
0x7d: {  	_ =	shalt  }
0x7e: {  	_ =	shalt  }
0x7f: {  	_ =	shalt  }
0x80: {  	_ =	shalt  }
0x81: {  	_ =	shalt  }
0x82: {  	_ =	shalt  }
0x83: {  	_ =	shalt  }
0x84: {  	_ =	shalt  }
0x85: {  	_ =	shalt  }
0x86: {  	_ =	shalt  }
0x87: {  	_ =	shalt  }
.Lfunc_end0:
.L_simem_size_0:
called_computation_lowered:
.L_overlay_start_0:
0x88: {  	s2 =	sld [smem:$0x3FD9]  }
0x89: {  	s3 =	sld [smem:$0x3FFE];
	_ =	sdelay $0x1  }
0x8a: {  	s1 =	srdreg.scid  }
0x8b: {  	s0 =	sand.u32 $0x1, s1  }
0x8c: {  	s14 =	sshll.u32 s0, $0xA;
	s2 =	sadd.s32 s3, s2  }
0x8d: {  	s2 =	sadd.s32 s2, s14  }
0x8e: {  	[smem:$0x3FB6] =	sst s2  }
0x8f: {  	_ = 	snop  }
0x90: {  	s2 =	sld [smem:$0x3FD0];
	_ =	sdelay $0x2  }
0x91: {  	s15 =	simm.s32 $0xA;
	s4 =	simm.s32 $0x10  }
0x92: {  	[smem:s4], [sflag:s15] =	dma.local [hbm:s2], $0x1  }
0x93: {  	_ =	swait.eq [sflag:s15], $0x1  }
0x94: {  	[sflag:s15] =	ssyncset.done $0x0  }
0x95: {  	[sflag:s15] =	ssyncadd.s32 $0xFFFFFFFF  }
0x96: {  	s16 =	sld [smem:$0x13];
	(tm) =	ssettm $0x1  }
0x97: {  	s17 =	sld [smem:$0x3FFB];
	_ =	sdelay $0x3  }
0x98: {  	_ =	strace s17  }
0x99: {  	s3 =	sld [smem:$0x3FFC];
	_ =	sdelay $0x3  }
0x9a: {  	_ =	strace s3  }
0x9b: {  	s3 =	sld [smem:$0x3FFD];
	_ =	sdelay $0x3  }
0x9c: {  	_ =	strace s3  }
0x9d: {  	_ =	strace $0x8FFFFFFF  }
0x9e: {  	s18 =	sld [smem:$0x3FDB];
	_ =	sdelay $0x1  }
0x9f: {  	s19 =	simm.s32 $_scs_section_size  }
0xa0: {  	s5 =	simm.s32 $_size__tile_overlayer_lowered;
	s6 =	simm.s32 $_tile_overlayer_lowered  }
0xa1: {  	s22 =	simm.s32 $0x1BFF;
	s21 =	sshll.u32 s6, $0x1;
	s3 =	sadd.s32 s19, s18  }
0xa2: {  	s7 =	simm.s32 $0x0;
	s20 =	sshll.u32 s5, $0x1;
	s5 =	sadd.s32 s21, s3  }
0xa3: {  	[timem:s7], [sflag:s22] =	dma.local [hbm:s5], s20  }
0xa4: {  	_ =	swait.ge [sflag:s22], s20  }
0xa5: {  	s4 =	ssub.s32 $0x0, s20;
	[sflag:s22] =	ssyncset.done $0x0  }
0xa6: {  	[sflag:s22] =	ssyncadd.s32 s4;
	_ =	sdelay $0x1  }
0xa7: {  	s23 =	simm.s32 $0x1B8B  }
0xa8: {  	_ =	swait.ge [sflag:s23], $0x1  }
0xa9: {  	[sflag:s23] =	ssyncset.done $0x0  }
0xaa: {  	s25 =	simm.s32 $0x1B8E;
	s24 =	sld [smem:$0x3FFE];
	[sflag:s23] =	ssyncadd.s32 $0xFFFFFFFF  }
0xab: {  	s26 =	simm.s32 $execute0_lowered;
	[smem:$0x3FD2] =	sst s25  }
0xac: {  	s5 =	sshll.u32 s26, $0x1;
	_ =	strace $0x80000046;
	[dreg:$0x1] =	wrdreg $0xFFFFFFFF  }
0xad: {  	s28 =	simm.s32 $_size_execute0_lowered;
	s3 =	sadd.s32 s3, s5;
	[dreg:$0x0] =	wrdreg $0x0  }
0xae: {  	s5 =	sshll.u32 s28, $0x1;
	[dreg:$0x2] =	wrdreg s3  }
0xaf: {  	[dreg:$0x3] =	wrdreg s5  }
0xb0: {  	[dreg:$0x4] =	wrdreg $0xC0  }
0xb1: {  	_ =	task [dreg:s7], $0x5FFFF  }
0xb2: {  	[dreg:$0x1] =	wrdreg $0xFFFFFFFF  }
0xb3: {  	[dreg:$0x0] =	wrdreg $0x60  }
0xb4: {  	[dreg:$0x2] =	wrdreg s24  }
0xb5: {  	[dreg:$0x3] =	wrdreg s16  }
0xb6: {  	[dreg:$0x4] =	wrdreg $0x9  }
0xb7: {  	_ =	task.clear_ibuf [dreg:s7], $0x5FFFF;
	_ =	strace $0x90000046  }
0xb8: {  	s29 =	simm.s32 $0x9;
	_ =	strace $0x80000048  }
0xb9: {  	_ =	swait.ge [sflag:s29], $0x1  }
0xba: {  	[sflag:s29] =	ssyncadd.s32 $0xFFFFFFFF  }
0xbb: {  	_ =	strace $0x90000048  }
0xbc: {  	_ =	sfence  }
0xbd: {  	s30 =	sld [smem:$0x0];
	_ =	sdelay $0x2  }
0xbe: {  	s31 =	sshll.u32 s1, $0xD;
	s1 =	sshrl.u32 s1, $0x2  }
0xbf: {  	s3 =	sand.u32 $0x4000, s31;
	s1 =	sadd.s32 s1, s30  }
0xc0: {  	s0 =	sor.u32 s3, s0;
	s1 =	sshll.u32 s1, $0x11  }
0xc1: {  	s0 =	sor.u32 s1, s0  }
0xc2: {  	s0 =	sadd.s32 $0x8F2B, s0  }
0xc3: {  	[sflag:s0] =	ssyncadd.remote.s32 $0x1  }
0xc4: {  	_ =	sfence.sel $0xFFFF  }
0xc5: {  	[dreg:$0x0] =	wrdreg $0xFFFFFFFF;
	(pc) =	sbr.abs _section_cstart, $3  }
0xc6: {  	[dreg:$0x1] =	wrdreg $0xFFFFFFFF  }
0xc7: {  	_ =	task.clear_ibuf [dreg:s7], $0x2FFFF;
	_ =	strace $0x9FFFFFFF  }
0xc8: {  	(tm) =	ssettm $0x7FFFFFFF  }
0xc9: {  	_ =	shalt  }
tec
execute0_lowered:
.L_overlay_start_1:
0x0: {  	(tag) =	ssettag $0x1  }
0x1: {  	s1 =	stileid.u32  }
0x2: {  	p0 =	sgt.u32 s1, $0x7  }
.Ltmp0:
0x3: {  	_ = 	snop;
	(pc) =	sbr.rel @p0 .LBB2_5-.Ltmp0, $4  }
0x4: {  	s4 =	rddreg [dreg:$0x0]  }
0x5: {  	s3 =	rddreg [dreg:$0x1];
	s2 =	simm.s32 $0x0  }
0x6: {  	[smem:$0x7FF] =	sst s2  }
0x7: {  	s0 =	rddreg [dreg:$0x2];
	_ =	strace $0x80000047  }
0x8: {  	s5 =	srdreg.scid  }
0x9: {  	s6 =	sshll.u32 s1, $0x1;
	s4 =	sadd.s32 $0x3600, s4;
	s8 =	sshll.u32 s1, $0xB  }
0xa: {  	s10 =	simm.s32 $0x0;
	s5 =	sand.u32 $0x1, s5;
	s8 =	sand.u32 $0x2000, s8  }
0xb: {  	s6 =	sor.u32 s5, s6;
	s5 =	ssub.s32 $0x2, s5;
	s4 =	sadd.s32 s4, s8  }
0xc: {  	s8 =	simm.s32 $0x1;
	s7 =	sshll.u32 s6, $0x1;
	s6 =	sshll.u32 s6, $0x4  }
0xd: {  	s9 =	sshrl.u32 s5, $0x1;
	s6 =	sand.u32 $0x70, s6;
	s3 =	sadd.s32 s3, s7  }
0xe: {  	s5 =	ssub.s32 s5, s9;
	s7 =	simm.s32 $0x400;
	s9 =	simm.s32 $0x2000  }
0xf: {  	s4 =	sadd.s32 s6, s4;
	s5 =	smax.u32 s5, $0x1;
	s6 =	simm.s32 $0x80  }
.LBB2_2:
0x10: {  	s11 =	simm.s32 $0x0  }
0x11: {  	[tilespmem:s11], [sflag:$0x1] =	stream.strided.gather [hbm4b:s4+s6], $0x2000, s7, s6, $0x38;
	[tilespmem:$0x2080] =	vst v63  }
0x12: {  	_ =	swait.ge [sflag:s8], $0x2000  }
0x13: {  	[sflag:s8] =	ssyncset.done $0x0  }
0x14: {  	s31 =	simm.s32 $0x0;
	[sflag:s8] =	ssyncadd.s32 $0xFFFFE000  }
0x15: {  	v3 =	vld [tilespmem:s31+$0x0];
	_ =	sdelay $0x1  }
0x16: {  	s12 =	simm.s32 $0x10  }
0x17: {  	v4 =	vld [tilespmem:s12+$0x0]  }
0x18: {  	v0 =	vimm.f32 $1.000000020e+30  }
0x19: {  	v2 =	vmax.f32 v0, v3  }
0x1a: {  	v1 =	vmax.f32 v0, v2  }
0x1b: {  	s11 =	simm.s32 $0x80;
	v3 =	vmin.f32 v0, v3;
	v1 =	vmin.f32 v0, v1  }
.LBB2_3:
0x1c: {  	s12 =	sshra.s32 s11, $0x2;
	p0 =	sne.s32 s11, $0x7FC0;
	s11 =	sadd.s32 $0x40, s11;
	v0 =	vmin.f32 v0, v2;
	v2 =	vmax.f32 v3, v4;
	v5 =	vmov v4  }
.Ltmp1:
0x1d: {  	v4 =	vld [tilespmem:s12+$0x0];
	v6 =	vmax.f32 v0, v2;
	(pc) =	sbr.rel @p0 .LBB2_3-.Ltmp1, $2  }
0x1e: {  	v1 =	vmin.f32 v1, v6;
	_ =	sdelay $0x2  }
0x1f: {  	v3 =	vmin.f32 v3, v5  }
0x20: {  	v5 =	vmax.f32 v3, v4;
	v0 =	vmin.f32 v0, v2  }
0x21: {  	v62 =	vmin.f32 v3, v4;
	v63 =	vmin.f32 v0, v5  }
0x22: {  	v0 =	vmax.f32 v0, v5;
	v2 =	vadd.f32 v63, v62  }
0x23: {  	v0 =	vmin.f32 v1, v0  }
0x24: {  	v0 =	vadd.f32 v0, v2;
	_ =	sdelay $0x1  }
0x25: {  	s10 =	sadd.s32 $0x1, s10;
	v0 =	vmul.f32 $3.333333430e-01, v0  }
0x26: {  	p0 =	sne.s32 s10, s5  }
.Ltmp2:
0x27: {  	[tilespmem:$0x2000] =	vst v0;
	(pc) =	sbr.rel @p0 .LBB2_2-.Ltmp2, $4  }
0x28: {  	[hbm4b:s3+s2] =	stream.linear.scatter [tilespmem:s9], [sflag:$0x1], $0x10, $0x38;
	[tilespmem:$0x2080] =	vst v63  }
0x29: {  	_ =	swait.ge [sflag:s8], $0x10  }
0x2a: {  	[sflag:s8] =	ssyncset.done $0x0  }
0x2b: {  	[sflag:s8] =	ssyncadd.s32 $0xFFFFFFF0  }
.LBB2_5:
0x2c: {  	_ =	sfence.sel $0x180000  }
0x2d: {  	[bflag:$0x0] =	sbarrier.arrive $0xFFFF  }
0x2e: {  	p0 =	sne.s32 s1, $0x0;
	_ =	strace $0x90000047  }
0x2f: {  	s0 =	sadd.s32 @!p0 $0x100000, s0;
	[bflag:$0x2] =	sbarrier.arrive $0xFFFF  }
0x30: {  	[sflag:s0] =	ssyncadd.tile.s32 @!p0 $0x1;
	_ =	shalt  }
.Lfunc_end2:
_tile_overlayer_lowered:
.L_overlay_start_2:
0x31: {  	(tag) =	ssettag $0x2  }
0x32: {  	s0 =	rddreg [dreg:$0x0];
	s2 =	stileid.u32  }
0x33: {  	s1 =	rddreg [dreg:$0x1];
	p0 =	sne.s32 s2, $0x0  }
0x34: {  	s3 =	rddreg [dreg:$0x2];
	[bflag:$0x3] =	sbarrier.arrive $0xFFFF;
	s2 =	simm.s32 @!p0 $0x1C01  }
0x35: {  	[timem:s3], [sflag:s2] =	dma.local @!p0 [hbm:s0], s1  }
0x36: {  	s0 =	simm.s32 @!p0 $0x1  }
0x37: {  	_ =	swait.ge @!p0 [sflag:s0], s1  }
0x38: {  	s1 =	ssub.s32 @!p0 $0x0, s1;
	[sflag:s0] =	ssyncset.done @!p0 $0x0  }
0x39: {  	[sflag:s0] =	ssyncadd.s32 @!p0 s1  }
0x3a: {  	[bflag:$0x3] =	sbarrier.arrive $0xFFFF  }
0x3b: {  	_ =	shalt  }

</sc_bundles>
